<compile_context>
chip_gen: v7x
topology: tpu7x:2x2x1
jax: 0.10.2.dev20260603
libtpu: 0.0.44.dev20260713+nightly
codegen_flags: <defaults>
</compile_context>

<pallas_src>
import functools

import jax
import jax.numpy as jnp
from jax import lax
from jax.experimental import pallas as pl
from jax.experimental.pallas import tpu as pltpu
from jax.experimental.pallas import tpu_sc as plsc

_NCH = 192
_B = 4
_ROWS = _B * _NCH
_H = 224
_W = 224
_NC = 2
_NS = 16
_NW = _NC * _NS
_RPW = _ROWS // _NW
_IDXPAD = 32
_HSPLIT = 2
_HH = _H // _HSPLIT
_NBUF = 4


def _make_sc_shuffle():
    mesh = plsc.VectorSubcoreMesh(core_axis_name="c", subcore_axis_name="s")

    @functools.partial(
        pl.kernel,
        out_type=jax.ShapeDtypeStruct((_ROWS, _H, _W), jnp.float32),
        mesh=mesh,
        compiler_params=pltpu.CompilerParams(needs_layout_passes=False),
        scratch_types=[
            pltpu.VMEM((_IDXPAD,), jnp.int32),
            pltpu.VMEM((1, _H, _W), jnp.float32),
            pltpu.VMEM((1, _H, _W), jnp.float32),
            pltpu.SemaphoreType.DMA,
            pltpu.SemaphoreType.DMA,
            pltpu.SemaphoreType.DMA,
            pltpu.SemaphoreType.DMA,
        ],
    )
    def shuffle(x_hbm, ids_hbm, out_hbm, idx_v, buf0, buf1, g0, g1, s0, s1):
        wid = lax.axis_index("s") * _NC + lax.axis_index("c")
        base = wid * _RPW
        boff = (wid // (_NCH // _RPW)) * _NCH
        cbase = (wid % (_NCH // _RPW)) * _RPW
        pltpu.sync_copy(ids_hbm.at[pl.ds(cbase, _RPW)],
                        idx_v.at[pl.ds(0, _RPW)])
        c0 = idx_v[pl.ds(0, 16)] + boff
        c1 = idx_v[pl.ds(16, 16)] + boff
        bufs = (buf0, buf1)
        gsems = (g0, g1)
        ssems = (s0, s1)
        gcp = [None, None]
        for j in range(_RPW):
            b = j % 2
            rid = (c0 if j < 16 else c1)[j % 16]
            if j >= 2:
                pltpu.make_async_copy(
                    bufs[b], out_hbm.at[pl.ds(0, 1)], ssems[b]).wait()
            gcp[b] = pltpu.async_copy(
                x_hbm.at[pl.ds(rid, 1)], bufs[b], gsems[b])
            if j >= 1:
                pb = (j - 1) % 2
                gcp[pb].wait()
                pltpu.async_copy(
                    bufs[pb], out_hbm.at[pl.ds(base + j - 1, 1)], ssems[pb])
        lb = (_RPW - 1) % 2
        gcp[lb].wait()
        pltpu.async_copy(
            bufs[lb], out_hbm.at[pl.ds(base + _RPW - 1, 1)], ssems[lb])
        pltpu.make_async_copy(buf0, out_hbm.at[pl.ds(0, 1)], s0).wait()
        pltpu.make_async_copy(buf1, out_hbm.at[pl.ds(0, 1)], s1).wait()

    return shuffle


_sc_shuffle = _make_sc_shuffle()


def kernel(x_list, objective, indices):
    x3 = x_list.reshape(_ROWS, _H, _W)
    y3 = _sc_shuffle(x3, indices.astype(jnp.int32))
    return (y3.reshape(_B, _NCH, _H, _W), objective)

# --- scband reference (transcript-rebuilt; emitter-appended) ---
"""Pipeline reference for scband-shuffle-5609227289201 (READ-ONLY COPY).

The authoritative reference and input builder live on the scoring server;
editing this copy changes nothing except your own understanding.
"""

import jax, jax.numpy as jnp
import numpy as np

NUM_CHANNELS = 192


def setup_inputs(seed: int = 0) -> dict:
    key = jax.random.key(seed)
    k1, k2 = jax.random.split(key)
    x_list = jax.random.normal(k1, (4, NUM_CHANNELS, 224, 224), dtype=jnp.float32)
    objective = jnp.zeros((4,), dtype=jnp.float32)
    # buffer created at module init: a fixed random permutation of channels
    indices = jax.random.permutation(k2, NUM_CHANNELS).astype(jnp.int32)
    return {"x_list": x_list, "objective": objective, "indices": indices}


def reference(x_list, objective, indices):
    # forward_: pop last tensor from list, permute channels, push back.
    # Here the 'list' holds a single tensor, so this is x[:, indices].
    y = jnp.take(x_list, indices, axis=1)
    return (y, objective)

if __name__ == "__main__":
    import jax
    _d = setup_inputs()
    print(jax.jit(kernel)(*tuple(_d.values())))

</pallas_src>

<mosaic_0001>
#map = affine_map<(d0, d1) -> (0, 0, 0)>
#map1 = affine_map<(d0, d1) -> (0)>
module attributes {stable_mosaic.version = 14 : i64} {
  func.func @shuffle(%arg0: i32, %arg1: i32, %arg2: memref<768x224x224xf32, #tpu.memory_space<hbm>>, %arg3: memref<192xi32, #tpu.memory_space<hbm>>, %arg4: memref<768x224x224xf32, #tpu.memory_space<hbm>>, %arg5: memref<32xi32, #tpu.memory_space<vmem>>, %arg6: memref<1x224x224xf32, #tpu.memory_space<vmem>>, %arg7: memref<1x224x224xf32, #tpu.memory_space<vmem>>, %arg8: memref<!tpu.dma_semaphore, #tpu.memory_space<semaphore_mem>>, %arg9: memref<!tpu.dma_semaphore, #tpu.memory_space<semaphore_mem>>, %arg10: memref<!tpu.dma_semaphore, #tpu.memory_space<semaphore_mem>>, %arg11: memref<!tpu.dma_semaphore, #tpu.memory_space<semaphore_mem>>) attributes {dimension_semantics = [#tpu.dimension_semantics<core_parallel>, #tpu.dimension_semantics<subcore_parallel>], iteration_bounds = array<i64: 2, 16>, scalar_prefetch = 0 : i64, scratch_operands = 7 : i64, tpu.core_type = #tpu.core_type<sc_vector_subcore>, window_params = [{transform_indices = #map}, {transform_indices = #map1}, {transform_indices = #map}]} {
    %mul3A = arith.constant 2 : i32
    %mul3A_0 = arith.muli %arg1, %mul3A : i32
    %add3A = arith.addi %mul3A_0, %arg0 : i32
    %mul3A_1 = arith.constant 24 : i32
    %mul3A_2 = arith.muli %add3A, %mul3A_1 : i32
    %jit3A = arith.constant 8 : i32
    %div3A = arith.divsi %add3A, %jit3A : i32
    %sign3A = arith.constant 0 : i32
    %sign3A_3 = arith.cmpi sgt, %add3A, %sign3A : i32
    %sign3A_4 = arith.extui %sign3A_3 : i1 to i32
    %sign3A_5 = arith.constant 0 : i32
    %sign3A_6 = arith.cmpi slt, %add3A, %sign3A_5 : i32
    %sign3A_7 = arith.extui %sign3A_6 : i1 to i32
    %sign3A_8 = arith.subi %sign3A_4, %sign3A_7 : i32
    %sign3A_9 = arith.constant 0 : i32
    %sign3A_10 = arith.cmpi sgt, %jit3A, %sign3A_9 : i32
    %sign3A_11 = arith.extui %sign3A_10 : i1 to i32
    %sign3A_12 = arith.constant 0 : i32
    %sign3A_13 = arith.cmpi slt, %jit3A, %sign3A_12 : i32
    %sign3A_14 = arith.extui %sign3A_13 : i1 to i32
    %sign3A_15 = arith.subi %sign3A_11, %sign3A_14 : i32
    %ne3A = arith.cmpi ne, %sign3A_8, %sign3A_15 : i32
    %rem3A = arith.remsi %add3A, %jit3A : i32
    %ne3A_16 = arith.constant 0 : i32
    %ne3A_17 = arith.cmpi ne, %rem3A, %ne3A_16 : i32
    %and3A = arith.andi %ne3A, %ne3A_17 : i1
    %sub3A = arith.constant 1 : i32
    %sub3A_18 = arith.subi %div3A, %sub3A : i32
    %select_n3A = arith.select %and3A, %sub3A_18, %div3A : i32
    %mul3A_19 = arith.constant 192 : i32
    %mul3A_20 = arith.muli %select_n3A, %mul3A_19 : i32
    %jit3A_21 = arith.constant 8 : i32
    %eq3A = arith.constant 0 : i32
    %eq3A_22 = arith.cmpi eq, %jit3A_21, %eq3A : i32
    %jit3A_23 = arith.constant 1 : i32
    %select_n3A_24 = arith.select %eq3A_22, %jit3A_23, %jit3A_21 : i32
    %rem3A_25 = arith.remsi %add3A, %select_n3A_24 : i32
    %ne3A_26 = arith.constant 0 : i32
    %ne3A_27 = arith.cmpi ne, %rem3A_25, %ne3A_26 : i32
    %lt3A = arith.constant 0 : i32
    %lt3A_28 = arith.cmpi slt, %rem3A_25, %lt3A : i32
    %lt3A_29 = arith.constant 0 : i32
    %lt3A_30 = arith.cmpi slt, %select_n3A_24, %lt3A_29 : i32
    %ne3A_31 = arith.xori %lt3A_28, %lt3A_30 : i1
    %and3A_32 = arith.andi %ne3A_31, %ne3A_27 : i1
    %add3A_33 = arith.addi %rem3A_25, %select_n3A_24 : i32
    %select_n3A_34 = arith.select %and3A_32, %add3A_33, %rem3A_25 : i32
    %mul3A_35 = arith.constant 24 : i32
    %mul3A_36 = arith.muli %select_n3A_34, %mul3A_35 : i32
    "tpu.region"() ({
      %run_scoped3A = tpu.sem_alloc : memref<!tpu.dma_semaphore, #tpu.memory_space<semaphore_mem>>
      %dma_start3A_808 = arith.constant 0 : i32
      %dma_start3A_809 = tpu.memref_slice %arg5[%dma_start3A_808] : memref<32xi32, #tpu.memory_space<vmem>> -> memref<24xi32, #tpu.memory_space<vmem>>
      %dma_start3A_810 = tpu.memref_slice %arg3[%mul3A_36] : memref<192xi32, #tpu.memory_space<hbm>> -> memref<24xi32, #tpu.memory_space<hbm>>
      %dma_start3A_811 = arith.constant 0 : i32
      %dma_start3A_812 = tpu.memref_slice %arg5[%dma_start3A_811] : memref<32xi32, #tpu.memory_space<vmem>> -> memref<24xi32, #tpu.memory_space<vmem>>
      %dma_start3A_813 = tpu.memref_slice %arg3[%mul3A_36] : memref<192xi32, #tpu.memory_space<hbm>> -> memref<24xi32, #tpu.memory_space<hbm>>
      tpu.enqueue_dma source(%dma_start3A_813 : memref<24xi32, #tpu.memory_space<hbm>>) target(%dma_start3A_812 : memref<24xi32, #tpu.memory_space<vmem>>) target_semaphore(%run_scoped3A : memref<!tpu.dma_semaphore, #tpu.memory_space<semaphore_mem>>)
      %dma_wait3A_814 = arith.constant 0 : i32
      %dma_wait3A_815 = tpu.memref_slice %arg5[%dma_wait3A_814] : memref<32xi32, #tpu.memory_space<vmem>> -> memref<24xi32, #tpu.memory_space<vmem>>
      %dma_wait3A_816 = tpu.memref_slice %arg3[%mul3A_36] : memref<192xi32, #tpu.memory_space<hbm>> -> memref<24xi32, #tpu.memory_space<hbm>>
      %dma_wait3A_817 = arith.constant 0 : i32
      %dma_wait3A_818 = tpu.memref_slice %arg5[%dma_wait3A_817] : memref<32xi32, #tpu.memory_space<vmem>> -> memref<24xi32, #tpu.memory_space<vmem>>
      %dma_wait3A_819 = tpu.memref_slice %arg3[%mul3A_36] : memref<192xi32, #tpu.memory_space<hbm>> -> memref<24xi32, #tpu.memory_space<hbm>>
      tpu.wait_dma2 semaphore(%run_scoped3A : memref<!tpu.dma_semaphore, #tpu.memory_space<semaphore_mem>>) src(%dma_wait3A_819 : memref<24xi32, #tpu.memory_space<hbm>>) dst(%dma_wait3A_818 : memref<24xi32, #tpu.memory_space<vmem>>)
      tpu.yield
    }) : () -> ()
    %get3A = arith.constant 0 : index
    %get3A_37 = tpu.vector_load %arg5[%get3A] {strides = array<i32>} : memref<32xi32, #tpu.memory_space<vmem>>, vector<16xi32>,
    %add3A_38 = vector.broadcast %mul3A_20 : i32 to vector<16xi32>
    %add3A_39 = arith.addi %get3A_37, %add3A_38 : vector<16xi32>
    %get3A_40 = arith.constant 16 : index
    %get3A_41 = tpu.vector_load %arg5[%get3A_40] {strides = array<i32>} : memref<32xi32, #tpu.memory_space<vmem>>, vector<16xi32>,
    %add3A_42 = vector.broadcast %mul3A_20 : i32 to vector<16xi32>
    %add3A_43 = arith.addi %get3A_41, %add3A_42 : vector<16xi32>
    %slice3A = vector.extract_strided_slice %add3A_39 {offsets = [0], sizes = [1], strides = [1]} : vector<16xi32> to vector<1xi32>
    %squeeze3A = vector.extract %slice3A[0] : i32 from vector<1xi32>
    %dma_start3A = arith.constant 0 : i32
    %dma_start3A_44 = arith.constant 0 : i32
    %dma_start3A_45 = tpu.memref_slice %arg2[%squeeze3A, %dma_start3A, %dma_start3A_44] : memref<768x224x224xf32, #tpu.memory_space<hbm>> -> memref<1x224x224xf32, #tpu.memory_space<hbm>>
    %dma_start3A_46 = arith.constant 0 : i32
    %dma_start3A_47 = arith.constant 0 : i32
    %dma_start3A_48 = tpu.memref_slice %arg2[%squeeze3A, %dma_start3A_46, %dma_start3A_47] : memref<768x224x224xf32, #tpu.memory_space<hbm>> -> memref<1x224x224xf32, #tpu.memory_space<hbm>>
    tpu.enqueue_dma source(%dma_start3A_48 : memref<1x224x224xf32, #tpu.memory_space<hbm>>) target(%arg6 : memref<1x224x224xf32, #tpu.memory_space<vmem>>) target_semaphore(%arg8 : memref<!tpu.dma_semaphore, #tpu.memory_space<semaphore_mem>>)
    %slice3A_49 = vector.extract_strided_slice %add3A_39 {offsets = [1], sizes = [1], strides = [1]} : vector<16xi32> to vector<1xi32>
    %squeeze3A_50 = vector.extract %slice3A_49[0] : i32 from vector<1xi32>
    %dma_start3A_51 = arith.constant 0 : i32
    %dma_start3A_52 = arith.constant 0 : i32
    %dma_start3A_53 = tpu.memref_slice %arg2[%squeeze3A_50, %dma_start3A_51, %dma_start3A_52] : memref<768x224x224xf32, #tpu.memory_space<hbm>> -> memref<1x224x224xf32, #tpu.memory_space<hbm>>
    %dma_start3A_54 = arith.constant 0 : i32
    %dma_start3A_55 = arith.constant 0 : i32
    %dma_start3A_56 = tpu.memref_slice %arg2[%squeeze3A_50, %dma_start3A_54, %dma_start3A_55] : memref<768x224x224xf32, #tpu.memory_space<hbm>> -> memref<1x224x224xf32, #tpu.memory_space<hbm>>
    tpu.enqueue_dma source(%dma_start3A_56 : memref<1x224x224xf32, #tpu.memory_space<hbm>>) target(%arg7 : memref<1x224x224xf32, #tpu.memory_space<vmem>>) target_semaphore(%arg9 : memref<!tpu.dma_semaphore, #tpu.memory_space<semaphore_mem>>)
    %dma_wait3A = arith.constant 0 : i32
    %dma_wait3A_57 = arith.constant 0 : i32
    %dma_wait3A_58 = tpu.memref_slice %arg2[%squeeze3A, %dma_wait3A, %dma_wait3A_57] : memref<768x224x224xf32, #tpu.memory_space<hbm>> -> memref<1x224x224xf32, #tpu.memory_space<hbm>>
    %dma_wait3A_59 = arith.constant 0 : i32
    %dma_wait3A_60 = arith.constant 0 : i32
    %dma_wait3A_61 = tpu.memref_slice %arg2[%squeeze3A, %dma_wait3A_59, %dma_wait3A_60] : memref<768x224x224xf32, #tpu.memory_space<hbm>> -> memref<1x224x224xf32, #tpu.memory_space<hbm>>
    tpu.wait_dma2 semaphore(%arg8 : memref<!tpu.dma_semaphore, #tpu.memory_space<semaphore_mem>>) src(%dma_wait3A_61 : memref<1x224x224xf32, #tpu.memory_space<hbm>>) dst(%arg6 : memref<1x224x224xf32, #tpu.memory_space<vmem>>)
    %add3A_62 = arith.constant 1 : i32
    %add3A_63 = arith.addi %mul3A_2, %add3A_62 : i32
    %sub3A_64 = arith.constant 1 : i32
    %sub3A_65 = arith.subi %add3A_63, %sub3A_64 : i32
    %dma_start3A_66 = arith.constant 0 : i32
    %dma_start3A_67 = arith.constant 0 : i32
    %dma_start3A_68 = tpu.memref_slice %arg4[%sub3A_65, %dma_start3A_66, %dma_start3A_67] : memref<768x224x224xf32, #tpu.memory_space<hbm>> -> memref<1x224x224xf32, #tpu.memory_space<hbm>>
    %dma_start3A_69 = arith.constant 0 : i32
    %dma_start3A_70 = arith.constant 0 : i32
    %dma_start3A_71 = tpu.memref_slice %arg4[%sub3A_65, %dma_start3A_69, %dma_start3A_70] : memref<768x224x224xf32, #tpu.memory_space<hbm>> -> memref<1x224x224xf32, #tpu.memory_space<hbm>>
    tpu.enqueue_dma source(%arg6 : memref<1x224x224xf32, #tpu.memory_space<vmem>>) target(%dma_start3A_71 : memref<1x224x224xf32, #tpu.memory_space<hbm>>) target_semaphore(%arg10 : memref<!tpu.dma_semaphore, #tpu.memory_space<semaphore_mem>>)
    %slice3A_72 = vector.extract_strided_slice %add3A_39 {offsets = [2], sizes = [1], strides = [1]} : vector<16xi32> to vector<1xi32>
    %squeeze3A_73 = vector.extract %slice3A_72[0] : i32 from vector<1xi32>
    %dma_wait3A_74 = arith.constant 0 : i32
    %dma_wait3A_75 = arith.constant 0 : i32
    %dma_wait3A_76 = arith.constant 0 : i32
    %dma_wait3A_77 = tpu.memref_slice %arg4[%dma_wait3A_74, %dma_wait3A_75, %dma_wait3A_76] : memref<768x224x224xf32, #tpu.memory_space<hbm>> -> memref<1x224x224xf32, #tpu.memory_space<hbm>>
    %dma_wait3A_78 = arith.constant 0 : i32
    %dma_wait3A_79 = arith.constant 0 : i32
    %dma_wait3A_80 = arith.constant 0 : i32
    %dma_wait3A_81 = tpu.memref_slice %arg4[%dma_wait3A_78, %dma_wait3A_79, %dma_wait3A_80] : memref<768x224x224xf32, #tpu.memory_space<hbm>> -> memref<1x224x224xf32, #tpu.memory_space<hbm>>
    tpu.wait_dma2 semaphore(%arg10 : memref<!tpu.dma_semaphore, #tpu.memory_space<semaphore_mem>>) src(%arg6 : memref<1x224x224xf32, #tpu.memory_space<vmem>>) dst(%dma_wait3A_81 : memref<1x224x224xf32, #tpu.memory_space<hbm>>)
    %dma_start3A_82 = arith.constant 0 : i32
    %dma_start3A_83 = arith.constant 0 : i32
    %dma_start3A_84 = tpu.memref_slice %arg2[%squeeze3A_73, %dma_start3A_82, %dma_start3A_83] : memref<768x224x224xf32, #tpu.memory_space<hbm>> -> memref<1x224x224xf32, #tpu.memory_space<hbm>>
    %dma_start3A_85 = arith.constant 0 : i32
    %dma_start3A_86 = arith.constant 0 : i32
    %dma_start3A_87 = tpu.memref_slice %arg2[%squeeze3A_73, %dma_start3A_85, %dma_start3A_86] : memref<768x224x224xf32, #tpu.memory_space<hbm>> -> memref<1x224x224xf32, #tpu.memory_space<hbm>>
    tpu.enqueue_dma source(%dma_start3A_87 : memref<1x224x224xf32, #tpu.memory_space<hbm>>) target(%arg6 : memref<1x224x224xf32, #tpu.memory_space<vmem>>) target_semaphore(%arg8 : memref<!tpu.dma_semaphore, #tpu.memory_space<semaphore_mem>>)
    %dma_wait3A_88 = arith.constant 0 : i32
    %dma_wait3A_89 = arith.constant 0 : i32
    %dma_wait3A_90 = tpu.memref_slice %arg2[%squeeze3A_50, %dma_wait3A_88, %dma_wait3A_89] : memref<768x224x224xf32, #tpu.memory_space<hbm>> -> memref<1x224x224xf32, #tpu.memory_space<hbm>>
    %dma_wait3A_91 = arith.constant 0 : i32
    %dma_wait3A_92 = arith.constant 0 : i32
    %dma_wait3A_93 = tpu.memref_slice %arg2[%squeeze3A_50, %dma_wait3A_91, %dma_wait3A_92] : memref<768x224x224xf32, #tpu.memory_space<hbm>> -> memref<1x224x224xf32, #tpu.memory_space<hbm>>
    tpu.wait_dma2 semaphore(%arg9 : memref<!tpu.dma_semaphore, #tpu.memory_space<semaphore_mem>>) src(%dma_wait3A_93 : memref<1x224x224xf32, #tpu.memory_space<hbm>>) dst(%arg7 : memref<1x224x224xf32, #tpu.memory_space<vmem>>)
    %add3A_94 = arith.constant 2 : i32
    %add3A_95 = arith.addi %mul3A_2, %add3A_94 : i32
    %sub3A_96 = arith.constant 1 : i32
    %sub3A_97 = arith.subi %add3A_95, %sub3A_96 : i32
    %dma_start3A_98 = arith.constant 0 : i32
    %dma_start3A_99 = arith.constant 0 : i32
    %dma_start3A_100 = tpu.memref_slice %arg4[%sub3A_97, %dma_start3A_98, %dma_start3A_99] : memref<768x224x224xf32, #tpu.memory_space<hbm>> -> memref<1x224x224xf32, #tpu.memory_space<hbm>>
    %dma_start3A_101 = arith.constant 0 : i32
    %dma_start3A_102 = arith.constant 0 : i32
    %dma_start3A_103 = tpu.memref_slice %arg4[%sub3A_97, %dma_start3A_101, %dma_start3A_102] : memref<768x224x224xf32, #tpu.memory_space<hbm>> -> memref<1x224x224xf32, #tpu.memory_space<hbm>>
    tpu.enqueue_dma source(%arg7 : memref<1x224x224xf32, #tpu.memory_space<vmem>>) target(%dma_start3A_103 : memref<1x224x224xf32, #tpu.memory_space<hbm>>) target_semaphore(%arg11 : memref<!tpu.dma_semaphore, #tpu.memory_space<semaphore_mem>>)
    %slice3A_104 = vector.extract_strided_slice %add3A_39 {offsets = [3], sizes = [1], strides = [1]} : vector<16xi32> to vector<1xi32>
    %squeeze3A_105 = vector.extract %slice3A_104[0] : i32 from vector<1xi32>
    %dma_wait3A_106 = arith.constant 0 : i32
    %dma_wait3A_107 = arith.constant 0 : i32
    %dma_wait3A_108 = arith.constant 0 : i32
    %dma_wait3A_109 = tpu.memref_slice %arg4[%dma_wait3A_106, %dma_wait3A_107, %dma_wait3A_108] : memref<768x224x224xf32, #tpu.memory_space<hbm>> -> memref<1x224x224xf32, #tpu.memory_space<hbm>>
    %dma_wait3A_110 = arith.constant 0 : i32
    %dma_wait3A_111 = arith.constant 0 : i32
    %dma_wait3A_112 = arith.constant 0 : i32
    %dma_wait3A_113 = tpu.memref_slice %arg4[%dma_wait3A_110, %dma_wait3A_111, %dma_wait3A_112] : memref<768x224x224xf32, #tpu.memory_space<hbm>> -> memref<1x224x224xf32, #tpu.memory_space<hbm>>
    tpu.wait_dma2 semaphore(%arg11 : memref<!tpu.dma_semaphore, #tpu.memory_space<semaphore_mem>>) src(%arg7 : memref<1x224x224xf32, #tpu.memory_space<vmem>>) dst(%dma_wait3A_113 : memref<1x224x224xf32, #tpu.memory_space<hbm>>)
    %dma_start3A_114 = arith.constant 0 : i32
    %dma_start3A_115 = arith.constant 0 : i32
    %dma_start3A_116 = tpu.memref_slice %arg2[%squeeze3A_105, %dma_start3A_114, %dma_start3A_115] : memref<768x224x224xf32, #tpu.memory_space<hbm>> -> memref<1x224x224xf32, #tpu.memory_space<hbm>>
    %dma_start3A_117 = arith.constant 0 : i32
    %dma_start3A_118 = arith.constant 0 : i32
    %dma_start3A_119 = tpu.memref_slice %arg2[%squeeze3A_105, %dma_start3A_117, %dma_start3A_118] : memref<768x224x224xf32, #tpu.memory_space<hbm>> -> memref<1x224x224xf32, #tpu.memory_space<hbm>>
    tpu.enqueue_dma source(%dma_start3A_119 : memref<1x224x224xf32, #tpu.memory_space<hbm>>) target(%arg7 : memref<1x224x224xf32, #tpu.memory_space<vmem>>) target_semaphore(%arg9 : memref<!tpu.dma_semaphore, #tpu.memory_space<semaphore_mem>>)
    %dma_wait3A_120 = arith.constant 0 : i32
    %dma_wait3A_121 = arith.constant 0 : i32
    %dma_wait3A_122 = tpu.memref_slice %arg2[%squeeze3A_73, %dma_wait3A_120, %dma_wait3A_121] : memref<768x224x224xf32, #tpu.memory_space<hbm>> -> memref<1x224x224xf32, #tpu.memory_space<hbm>>
    %dma_wait3A_123 = arith.constant 0 : i32
    %dma_wait3A_124 = arith.constant 0 : i32
    %dma_wait3A_125 = tpu.memref_slice %arg2[%squeeze3A_73, %dma_wait3A_123, %dma_wait3A_124] : memref<768x224x224xf32, #tpu.memory_space<hbm>> -> memref<1x224x224xf32, #tpu.memory_space<hbm>>
    tpu.wait_dma2 semaphore(%arg8 : memref<!tpu.dma_semaphore, #tpu.memory_space<semaphore_mem>>) src(%dma_wait3A_125 : memref<1x224x224xf32, #tpu.memory_space<hbm>>) dst(%arg6 : memref<1x224x224xf32, #tpu.memory_space<vmem>>)
    %add3A_126 = arith.constant 3 : i32
    %add3A_127 = arith.addi %mul3A_2, %add3A_126 : i32
    %sub3A_128 = arith.constant 1 : i32
    %sub3A_129 = arith.subi %add3A_127, %sub3A_128 : i32
    %dma_start3A_130 = arith.constant 0 : i32
    %dma_start3A_131 = arith.constant 0 : i32
    %dma_start3A_132 = tpu.memref_slice %arg4[%sub3A_129, %dma_start3A_130, %dma_start3A_131] : memref<768x224x224xf32, #tpu.memory_space<hbm>> -> memref<1x224x224xf32, #tpu.memory_space<hbm>>
    %dma_start3A_133 = arith.constant 0 : i32
    %dma_start3A_134 = arith.constant 0 : i32
    %dma_start3A_135 = tpu.memref_slice %arg4[%sub3A_129, %dma_start3A_133, %dma_start3A_134] : memref<768x224x224xf32, #tpu.memory_space<hbm>> -> memref<1x224x224xf32, #tpu.memory_space<hbm>>
    tpu.enqueue_dma source(%arg6 : memref<1x224x224xf32, #tpu.memory_space<vmem>>) target(%dma_start3A_135 : memref<1x224x224xf32, #tpu.memory_space<hbm>>) target_semaphore(%arg10 : memref<!tpu.dma_semaphore, #tpu.memory_space<semaphore_mem>>)
    %slice3A_136 = vector.extract_strided_slice %add3A_39 {offsets = [4], sizes = [1], strides = [1]} : vector<16xi32> to vector<1xi32>
    %squeeze3A_137 = vector.extract %slice3A_136[0] : i32 from vector<1xi32>
    %dma_wait3A_138 = arith.constant 0 : i32
    %dma_wait3A_139 = arith.constant 0 : i32
    %dma_wait3A_140 = arith.constant 0 : i32
    %dma_wait3A_141 = tpu.memref_slice %arg4[%dma_wait3A_138, %dma_wait3A_139, %dma_wait3A_140] : memref<768x224x224xf32, #tpu.memory_space<hbm>> -> memref<1x224x224xf32, #tpu.memory_space<hbm>>
    %dma_wait3A_142 = arith.constant 0 : i32
    %dma_wait3A_143 = arith.constant 0 : i32
    %dma_wait3A_144 = arith.constant 0 : i32
    %dma_wait3A_145 = tpu.memref_slice %arg4[%dma_wait3A_142, %dma_wait3A_143, %dma_wait3A_144] : memref<768x224x224xf32, #tpu.memory_space<hbm>> -> memref<1x224x224xf32, #tpu.memory_space<hbm>>
    tpu.wait_dma2 semaphore(%arg10 : memref<!tpu.dma_semaphore, #tpu.memory_space<semaphore_mem>>) src(%arg6 : memref<1x224x224xf32, #tpu.memory_space<vmem>>) dst(%dma_wait3A_145 : memref<1x224x224xf32, #tpu.memory_space<hbm>>)
    %dma_start3A_146 = arith.constant 0 : i32
    %dma_start3A_147 = arith.constant 0 : i32
    %dma_start3A_148 = tpu.memref_slice %arg2[%squeeze3A_137, %dma_start3A_146, %dma_start3A_147] : memref<768x224x224xf32, #tpu.memory_space<hbm>> -> memref<1x224x224xf32, #tpu.memory_space<hbm>>
    %dma_start3A_149 = arith.constant 0 : i32
    %dma_start3A_150 = arith.constant 0 : i32
    %dma_start3A_151 = tpu.memref_slice %arg2[%squeeze3A_137, %dma_start3A_149, %dma_start3A_150] : memref<768x224x224xf32, #tpu.memory_space<hbm>> -> memref<1x224x224xf32, #tpu.memory_space<hbm>>
    tpu.enqueue_dma source(%dma_start3A_151 : memref<1x224x224xf32, #tpu.memory_space<hbm>>) target(%arg6 : memref<1x224x224xf32, #tpu.memory_space<vmem>>) target_semaphore(%arg8 : memref<!tpu.dma_semaphore, #tpu.memory_space<semaphore_mem>>)
    %dma_wait3A_152 = arith.constant 0 : i32
    %dma_wait3A_153 = arith.constant 0 : i32
    %dma_wait3A_154 = tpu.memref_slice %arg2[%squeeze3A_105, %dma_wait3A_152, %dma_wait3A_153] : memref<768x224x224xf32, #tpu.memory_space<hbm>> -> memref<1x224x224xf32, #tpu.memory_space<hbm>>
    %dma_wait3A_155 = arith.constant 0 : i32
    %dma_wait3A_156 = arith.constant 0 : i32
    %dma_wait3A_157 = tpu.memref_slice %arg2[%squeeze3A_105, %dma_wait3A_155, %dma_wait3A_156] : memref<768x224x224xf32, #tpu.memory_space<hbm>> -> memref<1x224x224xf32, #tpu.memory_space<hbm>>
    tpu.wait_dma2 semaphore(%arg9 : memref<!tpu.dma_semaphore, #tpu.memory_space<semaphore_mem>>) src(%dma_wait3A_157 : memref<1x224x224xf32, #tpu.memory_space<hbm>>) dst(%arg7 : memref<1x224x224xf32, #tpu.memory_space<vmem>>)
    %add3A_158 = arith.constant 4 : i32
    %add3A_159 = arith.addi %mul3A_2, %add3A_158 : i32
    %sub3A_160 = arith.constant 1 : i32
    %sub3A_161 = arith.subi %add3A_159, %sub3A_160 : i32
    %dma_start3A_162 = arith.constant 0 : i32
    %dma_start3A_163 = arith.constant 0 : i32
    %dma_start3A_164 = tpu.memref_slice %arg4[%sub3A_161, %dma_start3A_162, %dma_start3A_163] : memref<768x224x224xf32, #tpu.memory_space<hbm>> -> memref<1x224x224xf32, #tpu.memory_space<hbm>>
    %dma_start3A_165 = arith.constant 0 : i32
    %dma_start3A_166 = arith.constant 0 : i32
    %dma_start3A_167 = tpu.memref_slice %arg4[%sub3A_161, %dma_start3A_165, %dma_start3A_166] : memref<768x224x224xf32, #tpu.memory_space<hbm>> -> memref<1x224x224xf32, #tpu.memory_space<hbm>>
    tpu.enqueue_dma source(%arg7 : memref<1x224x224xf32, #tpu.memory_space<vmem>>) target(%dma_start3A_167 : memref<1x224x224xf32, #tpu.memory_space<hbm>>) target_semaphore(%arg11 : memref<!tpu.dma_semaphore, #tpu.memory_space<semaphore_mem>>)
    %slice3A_168 = vector.extract_strided_slice %add3A_39 {offsets = [5], sizes = [1], strides = [1]} : vector<16xi32> to vector<1xi32>
    %squeeze3A_169 = vector.extract %slice3A_168[0] : i32 from vector<1xi32>
    %dma_wait3A_170 = arith.constant 0 : i32
    %dma_wait3A_171 = arith.constant 0 : i32
    %dma_wait3A_172 = arith.constant 0 : i32
    %dma_wait3A_173 = tpu.memref_slice %arg4[%dma_wait3A_170, %dma_wait3A_171, %dma_wait3A_172] : memref<768x224x224xf32, #tpu.memory_space<hbm>> -> memref<1x224x224xf32, #tpu.memory_space<hbm>>
    %dma_wait3A_174 = arith.constant 0 : i32
    %dma_wait3A_175 = arith.constant 0 : i32
    %dma_wait3A_176 = arith.constant 0 : i32
    %dma_wait3A_177 = tpu.memref_slice %arg4[%dma_wait3A_174, %dma_wait3A_175, %dma_wait3A_176] : memref<768x224x224xf32, #tpu.memory_space<hbm>> -> memref<1x224x224xf32, #tpu.memory_space<hbm>>
    tpu.wait_dma2 semaphore(%arg11 : memref<!tpu.dma_semaphore, #tpu.memory_space<semaphore_mem>>) src(%arg7 : memref<1x224x224xf32, #tpu.memory_space<vmem>>) dst(%dma_wait3A_177 : memref<1x224x224xf32, #tpu.memory_space<hbm>>)
    %dma_start3A_178 = arith.constant 0 : i32
    %dma_start3A_179 = arith.constant 0 : i32
    %dma_start3A_180 = tpu.memref_slice %arg2[%squeeze3A_169, %dma_start3A_178, %dma_start3A_179] : memref<768x224x224xf32, #tpu.memory_space<hbm>> -> memref<1x224x224xf32, #tpu.memory_space<hbm>>
    %dma_start3A_181 = arith.constant 0 : i32
    %dma_start3A_182 = arith.constant 0 : i32
    %dma_start3A_183 = tpu.memref_slice %arg2[%squeeze3A_169, %dma_start3A_181, %dma_start3A_182] : memref<768x224x224xf32, #tpu.memory_space<hbm>> -> memref<1x224x224xf32, #tpu.memory_space<hbm>>
    tpu.enqueue_dma source(%dma_start3A_183 : memref<1x224x224xf32, #tpu.memory_space<hbm>>) target(%arg7 : memref<1x224x224xf32, #tpu.memory_space<vmem>>) target_semaphore(%arg9 : memref<!tpu.dma_semaphore, #tpu.memory_space<semaphore_mem>>)
    %dma_wait3A_184 = arith.constant 0 : i32
    %dma_wait3A_185 = arith.constant 0 : i32
    %dma_wait3A_186 = tpu.memref_slice %arg2[%squeeze3A_137, %dma_wait3A_184, %dma_wait3A_185] : memref<768x224x224xf32, #tpu.memory_space<hbm>> -> memref<1x224x224xf32, #tpu.memory_space<hbm>>
    %dma_wait3A_187 = arith.constant 0 : i32
    %dma_wait3A_188 = arith.constant 0 : i32
    %dma_wait3A_189 = tpu.memref_slice %arg2[%squeeze3A_137, %dma_wait3A_187, %dma_wait3A_188] : memref<768x224x224xf32, #tpu.memory_space<hbm>> -> memref<1x224x224xf32, #tpu.memory_space<hbm>>
    tpu.wait_dma2 semaphore(%arg8 : memref<!tpu.dma_semaphore, #tpu.memory_space<semaphore_mem>>) src(%dma_wait3A_189 : memref<1x224x224xf32, #tpu.memory_space<hbm>>) dst(%arg6 : memref<1x224x224xf32, #tpu.memory_space<vmem>>)
    %add3A_190 = arith.constant 5 : i32
    %add3A_191 = arith.addi %mul3A_2, %add3A_190 : i32
    %sub3A_192 = arith.constant 1 : i32
    %sub3A_193 = arith.subi %add3A_191, %sub3A_192 : i32
    %dma_start3A_194 = arith.constant 0 : i32
    %dma_start3A_195 = arith.constant 0 : i32
    %dma_start3A_196 = tpu.memref_slice %arg4[%sub3A_193, %dma_start3A_194, %dma_start3A_195] : memref<768x224x224xf32, #tpu.memory_space<hbm>> -> memref<1x224x224xf32, #tpu.memory_space<hbm>>
    %dma_start3A_197 = arith.constant 0 : i32
    %dma_start3A_198 = arith.constant 0 : i32
    %dma_start3A_199 = tpu.memref_slice %arg4[%sub3A_193, %dma_start3A_197, %dma_start3A_198] : memref<768x224x224xf32, #tpu.memory_space<hbm>> -> memref<1x224x224xf32, #tpu.memory_space<hbm>>
    tpu.enqueue_dma source(%arg6 : memref<1x224x224xf32, #tpu.memory_space<vmem>>) target(%dma_start3A_199 : memref<1x224x224xf32, #tpu.memory_space<hbm>>) target_semaphore(%arg10 : memref<!tpu.dma_semaphore, #tpu.memory_space<semaphore_mem>>)
    %slice3A_200 = vector.extract_strided_slice %add3A_39 {offsets = [6], sizes = [1], strides = [1]} : vector<16xi32> to vector<1xi32>
    %squeeze3A_201 = vector.extract %slice3A_200[0] : i32 from vector<1xi32>
    %dma_wait3A_202 = arith.constant 0 : i32
    %dma_wait3A_203 = arith.constant 0 : i32
    %dma_wait3A_204 = arith.constant 0 : i32
    %dma_wait3A_205 = tpu.memref_slice %arg4[%dma_wait3A_202, %dma_wait3A_203, %dma_wait3A_204] : memref<768x224x224xf32, #tpu.memory_space<hbm>> -> memref<1x224x224xf32, #tpu.memory_space<hbm>>
    %dma_wait3A_206 = arith.constant 0 : i32
    %dma_wait3A_207 = arith.constant 0 : i32
    %dma_wait3A_208 = arith.constant 0 : i32
    %dma_wait3A_209 = tpu.memref_slice %arg4[%dma_wait3A_206, %dma_wait3A_207, %dma_wait3A_208] : memref<768x224x224xf32, #tpu.memory_space<hbm>> -> memref<1x224x224xf32, #tpu.memory_space<hbm>>
    tpu.wait_dma2 semaphore(%arg10 : memref<!tpu.dma_semaphore, #tpu.memory_space<semaphore_mem>>) src(%arg6 : memref<1x224x224xf32, #tpu.memory_space<vmem>>) dst(%dma_wait3A_209 : memref<1x224x224xf32, #tpu.memory_space<hbm>>)
    %dma_start3A_210 = arith.constant 0 : i32
    %dma_start3A_211 = arith.constant 0 : i32
    %dma_start3A_212 = tpu.memref_slice %arg2[%squeeze3A_201, %dma_start3A_210, %dma_start3A_211] : memref<768x224x224xf32, #tpu.memory_space<hbm>> -> memref<1x224x224xf32, #tpu.memory_space<hbm>>
    %dma_start3A_213 = arith.constant 0 : i32
    %dma_start3A_214 = arith.constant 0 : i32
    %dma_start3A_215 = tpu.memref_slice %arg2[%squeeze3A_201, %dma_start3A_213, %dma_start3A_214] : memref<768x224x224xf32, #tpu.memory_space<hbm>> -> memref<1x224x224xf32, #tpu.memory_space<hbm>>
    tpu.enqueue_dma source(%dma_start3A_215 : memref<1x224x224xf32, #tpu.memory_space<hbm>>) target(%arg6 : memref<1x224x224xf32, #tpu.memory_space<vmem>>) target_semaphore(%arg8 : memref<!tpu.dma_semaphore, #tpu.memory_space<semaphore_mem>>)
    %dma_wait3A_216 = arith.constant 0 : i32
    %dma_wait3A_217 = arith.constant 0 : i32
    %dma_wait3A_218 = tpu.memref_slice %arg2[%squeeze3A_169, %dma_wait3A_216, %dma_wait3A_217] : memref<768x224x224xf32, #tpu.memory_space<hbm>> -> memref<1x224x224xf32, #tpu.memory_space<hbm>>
    %dma_wait3A_219 = arith.constant 0 : i32
    %dma_wait3A_220 = arith.constant 0 : i32
    %dma_wait3A_221 = tpu.memref_slice %arg2[%squeeze3A_169, %dma_wait3A_219, %dma_wait3A_220] : memref<768x224x224xf32, #tpu.memory_space<hbm>> -> memref<1x224x224xf32, #tpu.memory_space<hbm>>
    tpu.wait_dma2 semaphore(%arg9 : memref<!tpu.dma_semaphore, #tpu.memory_space<semaphore_mem>>) src(%dma_wait3A_221 : memref<1x224x224xf32, #tpu.memory_space<hbm>>) dst(%arg7 : memref<1x224x224xf32, #tpu.memory_space<vmem>>)
    %add3A_222 = arith.constant 6 : i32
    %add3A_223 = arith.addi %mul3A_2, %add3A_222 : i32
    %sub3A_224 = arith.constant 1 : i32
    %sub3A_225 = arith.subi %add3A_223, %sub3A_224 : i32
    %dma_start3A_226 = arith.constant 0 : i32
    %dma_start3A_227 = arith.constant 0 : i32
    %dma_start3A_228 = tpu.memref_slice %arg4[%sub3A_225, %dma_start3A_226, %dma_start3A_227] : memref<768x224x224xf32, #tpu.memory_space<hbm>> -> memref<1x224x224xf32, #tpu.memory_space<hbm>>
    %dma_start3A_229 = arith.constant 0 : i32
    %dma_start3A_230 = arith.constant 0 : i32
    %dma_start3A_231 = tpu.memref_slice %arg4[%sub3A_225, %dma_start3A_229, %dma_start3A_230] : memref<768x224x224xf32, #tpu.memory_space<hbm>> -> memref<1x224x224xf32, #tpu.memory_space<hbm>>
    tpu.enqueue_dma source(%arg7 : memref<1x224x224xf32, #tpu.memory_space<vmem>>) target(%dma_start3A_231 : memref<1x224x224xf32, #tpu.memory_space<hbm>>) target_semaphore(%arg11 : memref<!tpu.dma_semaphore, #tpu.memory_space<semaphore_mem>>)
    %slice3A_232 = vector.extract_strided_slice %add3A_39 {offsets = [7], sizes = [1], strides = [1]} : vector<16xi32> to vector<1xi32>
    %squeeze3A_233 = vector.extract %slice3A_232[0] : i32 from vector<1xi32>
    %dma_wait3A_234 = arith.constant 0 : i32
    %dma_wait3A_235 = arith.constant 0 : i32
    %dma_wait3A_236 = arith.constant 0 : i32
    %dma_wait3A_237 = tpu.memref_slice %arg4[%dma_wait3A_234, %dma_wait3A_235, %dma_wait3A_236] : memref<768x224x224xf32, #tpu.memory_space<hbm>> -> memref<1x224x224xf32, #tpu.memory_space<hbm>>
    %dma_wait3A_238 = arith.constant 0 : i32
    %dma_wait3A_239 = arith.constant 0 : i32
    %dma_wait3A_240 = arith.constant 0 : i32
    %dma_wait3A_241 = tpu.memref_slice %arg4[%dma_wait3A_238, %dma_wait3A_239, %dma_wait3A_240] : memref<768x224x224xf32, #tpu.memory_space<hbm>> -> memref<1x224x224xf32, #tpu.memory_space<hbm>>
    tpu.wait_dma2 semaphore(%arg11 : memref<!tpu.dma_semaphore, #tpu.memory_space<semaphore_mem>>) src(%arg7 : memref<1x224x224xf32, #tpu.memory_space<vmem>>) dst(%dma_wait3A_241 : memref<1x224x224xf32, #tpu.memory_space<hbm>>)
    %dma_start3A_242 = arith.constant 0 : i32
    %dma_start3A_243 = arith.constant 0 : i32
    %dma_start3A_244 = tpu.memref_slice %arg2[%squeeze3A_233, %dma_start3A_242, %dma_start3A_243] : memref<768x224x224xf32, #tpu.memory_space<hbm>> -> memref<1x224x224xf32, #tpu.memory_space<hbm>>
    %dma_start3A_245 = arith.constant 0 : i32
    %dma_start3A_246 = arith.constant 0 : i32
    %dma_start3A_247 = tpu.memref_slice %arg2[%squeeze3A_233, %dma_start3A_245, %dma_start3A_246] : memref<768x224x224xf32, #tpu.memory_space<hbm>> -> memref<1x224x224xf32, #tpu.memory_space<hbm>>
    tpu.enqueue_dma source(%dma_start3A_247 : memref<1x224x224xf32, #tpu.memory_space<hbm>>) target(%arg7 : memref<1x224x224xf32, #tpu.memory_space<vmem>>) target_semaphore(%arg9 : memref<!tpu.dma_semaphore, #tpu.memory_space<semaphore_mem>>)
    %dma_wait3A_248 = arith.constant 0 : i32
    %dma_wait3A_249 = arith.constant 0 : i32
    %dma_wait3A_250 = tpu.memref_slice %arg2[%squeeze3A_201, %dma_wait3A_248, %dma_wait3A_249] : memref<768x224x224xf32, #tpu.memory_space<hbm>> -> memref<1x224x224xf32, #tpu.memory_space<hbm>>
    %dma_wait3A_251 = arith.constant 0 : i32
    %dma_wait3A_252 = arith.constant 0 : i32
    %dma_wait3A_253 = tpu.memref_slice %arg2[%squeeze3A_201, %dma_wait3A_251, %dma_wait3A_252] : memref<768x224x224xf32, #tpu.memory_space<hbm>> -> memref<1x224x224xf32, #tpu.memory_space<hbm>>
    tpu.wait_dma2 semaphore(%arg8 : memref<!tpu.dma_semaphore, #tpu.memory_space<semaphore_mem>>) src(%dma_wait3A_253 : memref<1x224x224xf32, #tpu.memory_space<hbm>>) dst(%arg6 : memref<1x224x224xf32, #tpu.memory_space<vmem>>)
    %add3A_254 = arith.constant 7 : i32
    %add3A_255 = arith.addi %mul3A_2, %add3A_254 : i32
    %sub3A_256 = arith.constant 1 : i32
    %sub3A_257 = arith.subi %add3A_255, %sub3A_256 : i32
    %dma_start3A_258 = arith.constant 0 : i32
    %dma_start3A_259 = arith.constant 0 : i32
    %dma_start3A_260 = tpu.memref_slice %arg4[%sub3A_257, %dma_start3A_258, %dma_start3A_259] : memref<768x224x224xf32, #tpu.memory_space<hbm>> -> memref<1x224x224xf32, #tpu.memory_space<hbm>>
    %dma_start3A_261 = arith.constant 0 : i32
    %dma_start3A_262 = arith.constant 0 : i32
    %dma_start3A_263 = tpu.memref_slice %arg4[%sub3A_257, %dma_start3A_261, %dma_start3A_262] : memref<768x224x224xf32, #tpu.memory_space<hbm>> -> memref<1x224x224xf32, #tpu.memory_space<hbm>>
    tpu.enqueue_dma source(%arg6 : memref<1x224x224xf32, #tpu.memory_space<vmem>>) target(%dma_start3A_263 : memref<1x224x224xf32, #tpu.memory_space<hbm>>) target_semaphore(%arg10 : memref<!tpu.dma_semaphore, #tpu.memory_space<semaphore_mem>>)
    %slice3A_264 = vector.extract_strided_slice %add3A_39 {offsets = [8], sizes = [1], strides = [1]} : vector<16xi32> to vector<1xi32>
    %squeeze3A_265 = vector.extract %slice3A_264[0] : i32 from vector<1xi32>
    %dma_wait3A_266 = arith.constant 0 : i32
    %dma_wait3A_267 = arith.constant 0 : i32
    %dma_wait3A_268 = arith.constant 0 : i32
    %dma_wait3A_269 = tpu.memref_slice %arg4[%dma_wait3A_266, %dma_wait3A_267, %dma_wait3A_268] : memref<768x224x224xf32, #tpu.memory_space<hbm>> -> memref<1x224x224xf32, #tpu.memory_space<hbm>>
    %dma_wait3A_270 = arith.constant 0 : i32
    %dma_wait3A_271 = arith.constant 0 : i32
    %dma_wait3A_272 = arith.constant 0 : i32
    %dma_wait3A_273 = tpu.memref_slice %arg4[%dma_wait3A_270, %dma_wait3A_271, %dma_wait3A_272] : memref<768x224x224xf32, #tpu.memory_space<hbm>> -> memref<1x224x224xf32, #tpu.memory_space<hbm>>
    tpu.wait_dma2 semaphore(%arg10 : memref<!tpu.dma_semaphore, #tpu.memory_space<semaphore_mem>>) src(%arg6 : memref<1x224x224xf32, #tpu.memory_space<vmem>>) dst(%dma_wait3A_273 : memref<1x224x224xf32, #tpu.memory_space<hbm>>)
    %dma_start3A_274 = arith.constant 0 : i32
    %dma_start3A_275 = arith.constant 0 : i32
    %dma_start3A_276 = tpu.memref_slice %arg2[%squeeze3A_265, %dma_start3A_274, %dma_start3A_275] : memref<768x224x224xf32, #tpu.memory_space<hbm>> -> memref<1x224x224xf32, #tpu.memory_space<hbm>>
    %dma_start3A_277 = arith.constant 0 : i32
    %dma_start3A_278 = arith.constant 0 : i32
    %dma_start3A_279 = tpu.memref_slice %arg2[%squeeze3A_265, %dma_start3A_277, %dma_start3A_278] : memref<768x224x224xf32, #tpu.memory_space<hbm>> -> memref<1x224x224xf32, #tpu.memory_space<hbm>>
    tpu.enqueue_dma source(%dma_start3A_279 : memref<1x224x224xf32, #tpu.memory_space<hbm>>) target(%arg6 : memref<1x224x224xf32, #tpu.memory_space<vmem>>) target_semaphore(%arg8 : memref<!tpu.dma_semaphore, #tpu.memory_space<semaphore_mem>>)
    %dma_wait3A_280 = arith.constant 0 : i32
    %dma_wait3A_281 = arith.constant 0 : i32
    %dma_wait3A_282 = tpu.memref_slice %arg2[%squeeze3A_233, %dma_wait3A_280, %dma_wait3A_281] : memref<768x224x224xf32, #tpu.memory_space<hbm>> -> memref<1x224x224xf32, #tpu.memory_space<hbm>>
    %dma_wait3A_283 = arith.constant 0 : i32
    %dma_wait3A_284 = arith.constant 0 : i32
    %dma_wait3A_285 = tpu.memref_slice %arg2[%squeeze3A_233, %dma_wait3A_283, %dma_wait3A_284] : memref<768x224x224xf32, #tpu.memory_space<hbm>> -> memref<1x224x224xf32, #tpu.memory_space<hbm>>
    tpu.wait_dma2 semaphore(%arg9 : memref<!tpu.dma_semaphore, #tpu.memory_space<semaphore_mem>>) src(%dma_wait3A_285 : memref<1x224x224xf32, #tpu.memory_space<hbm>>) dst(%arg7 : memref<1x224x224xf32, #tpu.memory_space<vmem>>)
    %add3A_286 = arith.constant 8 : i32
    %add3A_287 = arith.addi %mul3A_2, %add3A_286 : i32
    %sub3A_288 = arith.constant 1 : i32
    %sub3A_289 = arith.subi %add3A_287, %sub3A_288 : i32
    %dma_start3A_290 = arith.constant 0 : i32
    %dma_start3A_291 = arith.constant 0 : i32
    %dma_start3A_292 = tpu.memref_slice %arg4[%sub3A_289, %dma_start3A_290, %dma_start3A_291] : memref<768x224x224xf32, #tpu.memory_space<hbm>> -> memref<1x224x224xf32, #tpu.memory_space<hbm>>
    %dma_start3A_293 = arith.constant 0 : i32
    %dma_start3A_294 = arith.constant 0 : i32
    %dma_start3A_295 = tpu.memref_slice %arg4[%sub3A_289, %dma_start3A_293, %dma_start3A_294] : memref<768x224x224xf32, #tpu.memory_space<hbm>> -> memref<1x224x224xf32, #tpu.memory_space<hbm>>
    tpu.enqueue_dma source(%arg7 : memref<1x224x224xf32, #tpu.memory_space<vmem>>) target(%dma_start3A_295 : memref<1x224x224xf32, #tpu.memory_space<hbm>>) target_semaphore(%arg11 : memref<!tpu.dma_semaphore, #tpu.memory_space<semaphore_mem>>)
    %slice3A_296 = vector.extract_strided_slice %add3A_39 {offsets = [9], sizes = [1], strides = [1]} : vector<16xi32> to vector<1xi32>
    %squeeze3A_297 = vector.extract %slice3A_296[0] : i32 from vector<1xi32>
    %dma_wait3A_298 = arith.constant 0 : i32
    %dma_wait3A_299 = arith.constant 0 : i32
    %dma_wait3A_300 = arith.constant 0 : i32
    %dma_wait3A_301 = tpu.memref_slice %arg4[%dma_wait3A_298, %dma_wait3A_299, %dma_wait3A_300] : memref<768x224x224xf32, #tpu.memory_space<hbm>> -> memref<1x224x224xf32, #tpu.memory_space<hbm>>
    %dma_wait3A_302 = arith.constant 0 : i32
    %dma_wait3A_303 = arith.constant 0 : i32
    %dma_wait3A_304 = arith.constant 0 : i32
    %dma_wait3A_305 = tpu.memref_slice %arg4[%dma_wait3A_302, %dma_wait3A_303, %dma_wait3A_304] : memref<768x224x224xf32, #tpu.memory_space<hbm>> -> memref<1x224x224xf32, #tpu.memory_space<hbm>>
    tpu.wait_dma2 semaphore(%arg11 : memref<!tpu.dma_semaphore, #tpu.memory_space<semaphore_mem>>) src(%arg7 : memref<1x224x224xf32, #tpu.memory_space<vmem>>) dst(%dma_wait3A_305 : memref<1x224x224xf32, #tpu.memory_space<hbm>>)
    %dma_start3A_306 = arith.constant 0 : i32
    %dma_start3A_307 = arith.constant 0 : i32
    %dma_start3A_308 = tpu.memref_slice %arg2[%squeeze3A_297, %dma_start3A_306, %dma_start3A_307] : memref<768x224x224xf32, #tpu.memory_space<hbm>> -> memref<1x224x224xf32, #tpu.memory_space<hbm>>
    %dma_start3A_309 = arith.constant 0 : i32
    %dma_start3A_310 = arith.constant 0 : i32
    %dma_start3A_311 = tpu.memref_slice %arg2[%squeeze3A_297, %dma_start3A_309, %dma_start3A_310] : memref<768x224x224xf32, #tpu.memory_space<hbm>> -> memref<1x224x224xf32, #tpu.memory_space<hbm>>
    tpu.enqueue_dma source(%dma_start3A_311 : memref<1x224x224xf32, #tpu.memory_space<hbm>>) target(%arg7 : memref<1x224x224xf32, #tpu.memory_space<vmem>>) target_semaphore(%arg9 : memref<!tpu.dma_semaphore, #tpu.memory_space<semaphore_mem>>)
    %dma_wait3A_312 = arith.constant 0 : i32
    %dma_wait3A_313 = arith.constant 0 : i32
    %dma_wait3A_314 = tpu.memref_slice %arg2[%squeeze3A_265, %dma_wait3A_312, %dma_wait3A_313] : memref<768x224x224xf32, #tpu.memory_space<hbm>> -> memref<1x224x224xf32, #tpu.memory_space<hbm>>
    %dma_wait3A_315 = arith.constant 0 : i32
    %dma_wait3A_316 = arith.constant 0 : i32
    %dma_wait3A_317 = tpu.memref_slice %arg2[%squeeze3A_265, %dma_wait3A_315, %dma_wait3A_316] : memref<768x224x224xf32, #tpu.memory_space<hbm>> -> memref<1x224x224xf32, #tpu.memory_space<hbm>>
    tpu.wait_dma2 semaphore(%arg8 : memref<!tpu.dma_semaphore, #tpu.memory_space<semaphore_mem>>) src(%dma_wait3A_317 : memref<1x224x224xf32, #tpu.memory_space<hbm>>) dst(%arg6 : memref<1x224x224xf32, #tpu.memory_space<vmem>>)
    %add3A_318 = arith.constant 9 : i32
    %add3A_319 = arith.addi %mul3A_2, %add3A_318 : i32
    %sub3A_320 = arith.constant 1 : i32
    %sub3A_321 = arith.subi %add3A_319, %sub3A_320 : i32
    %dma_start3A_322 = arith.constant 0 : i32
    %dma_start3A_323 = arith.constant 0 : i32
    %dma_start3A_324 = tpu.memref_slice %arg4[%sub3A_321, %dma_start3A_322, %dma_start3A_323] : memref<768x224x224xf32, #tpu.memory_space<hbm>> -> memref<1x224x224xf32, #tpu.memory_space<hbm>>
    %dma_start3A_325 = arith.constant 0 : i32
    %dma_start3A_326 = arith.constant 0 : i32
    %dma_start3A_327 = tpu.memref_slice %arg4[%sub3A_321, %dma_start3A_325, %dma_start3A_326] : memref<768x224x224xf32, #tpu.memory_space<hbm>> -> memref<1x224x224xf32, #tpu.memory_space<hbm>>
    tpu.enqueue_dma source(%arg6 : memref<1x224x224xf32, #tpu.memory_space<vmem>>) target(%dma_start3A_327 : memref<1x224x224xf32, #tpu.memory_space<hbm>>) target_semaphore(%arg10 : memref<!tpu.dma_semaphore, #tpu.memory_space<semaphore_mem>>)
    %slice3A_328 = vector.extract_strided_slice %add3A_39 {offsets = [10], sizes = [1], strides = [1]} : vector<16xi32> to vector<1xi32>
    %squeeze3A_329 = vector.extract %slice3A_328[0] : i32 from vector<1xi32>
    %dma_wait3A_330 = arith.constant 0 : i32
    %dma_wait3A_331 = arith.constant 0 : i32
    %dma_wait3A_332 = arith.constant 0 : i32
    %dma_wait3A_333 = tpu.memref_slice %arg4[%dma_wait3A_330, %dma_wait3A_331, %dma_wait3A_332] : memref<768x224x224xf32, #tpu.memory_space<hbm>> -> memref<1x224x224xf32, #tpu.memory_space<hbm>>
    %dma_wait3A_334 = arith.constant 0 : i32
    %dma_wait3A_335 = arith.constant 0 : i32
    %dma_wait3A_336 = arith.constant 0 : i32
    %dma_wait3A_337 = tpu.memref_slice %arg4[%dma_wait3A_334, %dma_wait3A_335, %dma_wait3A_336] : memref<768x224x224xf32, #tpu.memory_space<hbm>> -> memref<1x224x224xf32, #tpu.memory_space<hbm>>
    tpu.wait_dma2 semaphore(%arg10 : memref<!tpu.dma_semaphore, #tpu.memory_space<semaphore_mem>>) src(%arg6 : memref<1x224x224xf32, #tpu.memory_space<vmem>>) dst(%dma_wait3A_337 : memref<1x224x224xf32, #tpu.memory_space<hbm>>)
    %dma_start3A_338 = arith.constant 0 : i32
    %dma_start3A_339 = arith.constant 0 : i32
    %dma_start3A_340 = tpu.memref_slice %arg2[%squeeze3A_329, %dma_start3A_338, %dma_start3A_339] : memref<768x224x224xf32, #tpu.memory_space<hbm>> -> memref<1x224x224xf32, #tpu.memory_space<hbm>>
    %dma_start3A_341 = arith.constant 0 : i32
    %dma_start3A_342 = arith.constant 0 : i32
    %dma_start3A_343 = tpu.memref_slice %arg2[%squeeze3A_329, %dma_start3A_341, %dma_start3A_342] : memref<768x224x224xf32, #tpu.memory_space<hbm>> -> memref<1x224x224xf32, #tpu.memory_space<hbm>>
    tpu.enqueue_dma source(%dma_start3A_343 : memref<1x224x224xf32, #tpu.memory_space<hbm>>) target(%arg6 : memref<1x224x224xf32, #tpu.memory_space<vmem>>) target_semaphore(%arg8 : memref<!tpu.dma_semaphore, #tpu.memory_space<semaphore_mem>>)
    %dma_wait3A_344 = arith.constant 0 : i32
    %dma_wait3A_345 = arith.constant 0 : i32
    %dma_wait3A_346 = tpu.memref_slice %arg2[%squeeze3A_297, %dma_wait3A_344, %dma_wait3A_345] : memref<768x224x224xf32, #tpu.memory_space<hbm>> -> memref<1x224x224xf32, #tpu.memory_space<hbm>>
    %dma_wait3A_347 = arith.constant 0 : i32
    %dma_wait3A_348 = arith.constant 0 : i32
    %dma_wait3A_349 = tpu.memref_slice %arg2[%squeeze3A_297, %dma_wait3A_347, %dma_wait3A_348] : memref<768x224x224xf32, #tpu.memory_space<hbm>> -> memref<1x224x224xf32, #tpu.memory_space<hbm>>
    tpu.wait_dma2 semaphore(%arg9 : memref<!tpu.dma_semaphore, #tpu.memory_space<semaphore_mem>>) src(%dma_wait3A_349 : memref<1x224x224xf32, #tpu.memory_space<hbm>>) dst(%arg7 : memref<1x224x224xf32, #tpu.memory_space<vmem>>)
    %add3A_350 = arith.constant 10 : i32
    %add3A_351 = arith.addi %mul3A_2, %add3A_350 : i32
    %sub3A_352 = arith.constant 1 : i32
    %sub3A_353 = arith.subi %add3A_351, %sub3A_352 : i32
    %dma_start3A_354 = arith.constant 0 : i32
    %dma_start3A_355 = arith.constant 0 : i32
    %dma_start3A_356 = tpu.memref_slice %arg4[%sub3A_353, %dma_start3A_354, %dma_start3A_355] : memref<768x224x224xf32, #tpu.memory_space<hbm>> -> memref<1x224x224xf32, #tpu.memory_space<hbm>>
    %dma_start3A_357 = arith.constant 0 : i32
    %dma_start3A_358 = arith.constant 0 : i32
    %dma_start3A_359 = tpu.memref_slice %arg4[%sub3A_353, %dma_start3A_357, %dma_start3A_358] : memref<768x224x224xf32, #tpu.memory_space<hbm>> -> memref<1x224x224xf32, #tpu.memory_space<hbm>>
    tpu.enqueue_dma source(%arg7 : memref<1x224x224xf32, #tpu.memory_space<vmem>>) target(%dma_start3A_359 : memref<1x224x224xf32, #tpu.memory_space<hbm>>) target_semaphore(%arg11 : memref<!tpu.dma_semaphore, #tpu.memory_space<semaphore_mem>>)
    %slice3A_360 = vector.extract_strided_slice %add3A_39 {offsets = [11], sizes = [1], strides = [1]} : vector<16xi32> to vector<1xi32>
    %squeeze3A_361 = vector.extract %slice3A_360[0] : i32 from vector<1xi32>
    %dma_wait3A_362 = arith.constant 0 : i32
    %dma_wait3A_363 = arith.constant 0 : i32
    %dma_wait3A_364 = arith.constant 0 : i32
    %dma_wait3A_365 = tpu.memref_slice %arg4[%dma_wait3A_362, %dma_wait3A_363, %dma_wait3A_364] : memref<768x224x224xf32, #tpu.memory_space<hbm>> -> memref<1x224x224xf32, #tpu.memory_space<hbm>>
    %dma_wait3A_366 = arith.constant 0 : i32
    %dma_wait3A_367 = arith.constant 0 : i32
    %dma_wait3A_368 = arith.constant 0 : i32
    %dma_wait3A_369 = tpu.memref_slice %arg4[%dma_wait3A_366, %dma_wait3A_367, %dma_wait3A_368] : memref<768x224x224xf32, #tpu.memory_space<hbm>> -> memref<1x224x224xf32, #tpu.memory_space<hbm>>
    tpu.wait_dma2 semaphore(%arg11 : memref<!tpu.dma_semaphore, #tpu.memory_space<semaphore_mem>>) src(%arg7 : memref<1x224x224xf32, #tpu.memory_space<vmem>>) dst(%dma_wait3A_369 : memref<1x224x224xf32, #tpu.memory_space<hbm>>)
    %dma_start3A_370 = arith.constant 0 : i32
    %dma_start3A_371 = arith.constant 0 : i32
    %dma_start3A_372 = tpu.memref_slice %arg2[%squeeze3A_361, %dma_start3A_370, %dma_start3A_371] : memref<768x224x224xf32, #tpu.memory_space<hbm>> -> memref<1x224x224xf32, #tpu.memory_space<hbm>>
    %dma_start3A_373 = arith.constant 0 : i32
    %dma_start3A_374 = arith.constant 0 : i32
    %dma_start3A_375 = tpu.memref_slice %arg2[%squeeze3A_361, %dma_start3A_373, %dma_start3A_374] : memref<768x224x224xf32, #tpu.memory_space<hbm>> -> memref<1x224x224xf32, #tpu.memory_space<hbm>>
    tpu.enqueue_dma source(%dma_start3A_375 : memref<1x224x224xf32, #tpu.memory_space<hbm>>) target(%arg7 : memref<1x224x224xf32, #tpu.memory_space<vmem>>) target_semaphore(%arg9 : memref<!tpu.dma_semaphore, #tpu.memory_space<semaphore_mem>>)
    %dma_wait3A_376 = arith.constant 0 : i32
    %dma_wait3A_377 = arith.constant 0 : i32
    %dma_wait3A_378 = tpu.memref_slice %arg2[%squeeze3A_329, %dma_wait3A_376, %dma_wait3A_377] : memref<768x224x224xf32, #tpu.memory_space<hbm>> -> memref<1x224x224xf32, #tpu.memory_space<hbm>>
    %dma_wait3A_379 = arith.constant 0 : i32
    %dma_wait3A_380 = arith.constant 0 : i32
    %dma_wait3A_381 = tpu.memref_slice %arg2[%squeeze3A_329, %dma_wait3A_379, %dma_wait3A_380] : memref<768x224x224xf32, #tpu.memory_space<hbm>> -> memref<1x224x224xf32, #tpu.memory_space<hbm>>
    tpu.wait_dma2 semaphore(%arg8 : memref<!tpu.dma_semaphore, #tpu.memory_space<semaphore_mem>>) src(%dma_wait3A_381 : memref<1x224x224xf32, #tpu.memory_space<hbm>>) dst(%arg6 : memref<1x224x224xf32, #tpu.memory_space<vmem>>)
    %add3A_382 = arith.constant 11 : i32
    %add3A_383 = arith.addi %mul3A_2, %add3A_382 : i32
    %sub3A_384 = arith.constant 1 : i32
    %sub3A_385 = arith.subi %add3A_383, %sub3A_384 : i32
    %dma_start3A_386 = arith.constant 0 : i32
    %dma_start3A_387 = arith.constant 0 : i32
    %dma_start3A_388 = tpu.memref_slice %arg4[%sub3A_385, %dma_start3A_386, %dma_start3A_387] : memref<768x224x224xf32, #tpu.memory_space<hbm>> -> memref<1x224x224xf32, #tpu.memory_space<hbm>>
    %dma_start3A_389 = arith.constant 0 : i32
    %dma_start3A_390 = arith.constant 0 : i32
    %dma_start3A_391 = tpu.memref_slice %arg4[%sub3A_385, %dma_start3A_389, %dma_start3A_390] : memref<768x224x224xf32, #tpu.memory_space<hbm>> -> memref<1x224x224xf32, #tpu.memory_space<hbm>>
    tpu.enqueue_dma source(%arg6 : memref<1x224x224xf32, #tpu.memory_space<vmem>>) target(%dma_start3A_391 : memref<1x224x224xf32, #tpu.memory_space<hbm>>) target_semaphore(%arg10 : memref<!tpu.dma_semaphore, #tpu.memory_space<semaphore_mem>>)
    %slice3A_392 = vector.extract_strided_slice %add3A_39 {offsets = [12], sizes = [1], strides = [1]} : vector<16xi32> to vector<1xi32>
    %squeeze3A_393 = vector.extract %slice3A_392[0] : i32 from vector<1xi32>
    %dma_wait3A_394 = arith.constant 0 : i32
    %dma_wait3A_395 = arith.constant 0 : i32
    %dma_wait3A_396 = arith.constant 0 : i32
    %dma_wait3A_397 = tpu.memref_slice %arg4[%dma_wait3A_394, %dma_wait3A_395, %dma_wait3A_396] : memref<768x224x224xf32, #tpu.memory_space<hbm>> -> memref<1x224x224xf32, #tpu.memory_space<hbm>>
    %dma_wait3A_398 = arith.constant 0 : i32
    %dma_wait3A_399 = arith.constant 0 : i32
    %dma_wait3A_400 = arith.constant 0 : i32
    %dma_wait3A_401 = tpu.memref_slice %arg4[%dma_wait3A_398, %dma_wait3A_399, %dma_wait3A_400] : memref<768x224x224xf32, #tpu.memory_space<hbm>> -> memref<1x224x224xf32, #tpu.memory_space<hbm>>
    tpu.wait_dma2 semaphore(%arg10 : memref<!tpu.dma_semaphore, #tpu.memory_space<semaphore_mem>>) src(%arg6 : memref<1x224x224xf32, #tpu.memory_space<vmem>>) dst(%dma_wait3A_401 : memref<1x224x224xf32, #tpu.memory_space<hbm>>)
    %dma_start3A_402 = arith.constant 0 : i32
    %dma_start3A_403 = arith.constant 0 : i32
    %dma_start3A_404 = tpu.memref_slice %arg2[%squeeze3A_393, %dma_start3A_402, %dma_start3A_403] : memref<768x224x224xf32, #tpu.memory_space<hbm>> -> memref<1x224x224xf32, #tpu.memory_space<hbm>>
    %dma_start3A_405 = arith.constant 0 : i32
    %dma_start3A_406 = arith.constant 0 : i32
    %dma_start3A_407 = tpu.memref_slice %arg2[%squeeze3A_393, %dma_start3A_405, %dma_start3A_406] : memref<768x224x224xf32, #tpu.memory_space<hbm>> -> memref<1x224x224xf32, #tpu.memory_space<hbm>>
    tpu.enqueue_dma source(%dma_start3A_407 : memref<1x224x224xf32, #tpu.memory_space<hbm>>) target(%arg6 : memref<1x224x224xf32, #tpu.memory_space<vmem>>) target_semaphore(%arg8 : memref<!tpu.dma_semaphore, #tpu.memory_space<semaphore_mem>>)
    %dma_wait3A_408 = arith.constant 0 : i32
    %dma_wait3A_409 = arith.constant 0 : i32
    %dma_wait3A_410 = tpu.memref_slice %arg2[%squeeze3A_361, %dma_wait3A_408, %dma_wait3A_409] : memref<768x224x224xf32, #tpu.memory_space<hbm>> -> memref<1x224x224xf32, #tpu.memory_space<hbm>>
    %dma_wait3A_411 = arith.constant 0 : i32
    %dma_wait3A_412 = arith.constant 0 : i32
    %dma_wait3A_413 = tpu.memref_slice %arg2[%squeeze3A_361, %dma_wait3A_411, %dma_wait3A_412] : memref<768x224x224xf32, #tpu.memory_space<hbm>> -> memref<1x224x224xf32, #tpu.memory_space<hbm>>
    tpu.wait_dma2 semaphore(%arg9 : memref<!tpu.dma_semaphore, #tpu.memory_space<semaphore_mem>>) src(%dma_wait3A_413 : memref<1x224x224xf32, #tpu.memory_space<hbm>>) dst(%arg7 : memref<1x224x224xf32, #tpu.memory_space<vmem>>)
    %add3A_414 = arith.constant 12 : i32
    %add3A_415 = arith.addi %mul3A_2, %add3A_414 : i32
    %sub3A_416 = arith.constant 1 : i32
    %sub3A_417 = arith.subi %add3A_415, %sub3A_416 : i32
    %dma_start3A_418 = arith.constant 0 : i32
    %dma_start3A_419 = arith.constant 0 : i32
    %dma_start3A_420 = tpu.memref_slice %arg4[%sub3A_417, %dma_start3A_418, %dma_start3A_419] : memref<768x224x224xf32, #tpu.memory_space<hbm>> -> memref<1x224x224xf32, #tpu.memory_space<hbm>>
    %dma_start3A_421 = arith.constant 0 : i32
    %dma_start3A_422 = arith.constant 0 : i32
    %dma_start3A_423 = tpu.memref_slice %arg4[%sub3A_417, %dma_start3A_421, %dma_start3A_422] : memref<768x224x224xf32, #tpu.memory_space<hbm>> -> memref<1x224x224xf32, #tpu.memory_space<hbm>>
    tpu.enqueue_dma source(%arg7 : memref<1x224x224xf32, #tpu.memory_space<vmem>>) target(%dma_start3A_423 : memref<1x224x224xf32, #tpu.memory_space<hbm>>) target_semaphore(%arg11 : memref<!tpu.dma_semaphore, #tpu.memory_space<semaphore_mem>>)
    %slice3A_424 = vector.extract_strided_slice %add3A_39 {offsets = [13], sizes = [1], strides = [1]} : vector<16xi32> to vector<1xi32>
    %squeeze3A_425 = vector.extract %slice3A_424[0] : i32 from vector<1xi32>
    %dma_wait3A_426 = arith.constant 0 : i32
    %dma_wait3A_427 = arith.constant 0 : i32
    %dma_wait3A_428 = arith.constant 0 : i32
    %dma_wait3A_429 = tpu.memref_slice %arg4[%dma_wait3A_426, %dma_wait3A_427, %dma_wait3A_428] : memref<768x224x224xf32, #tpu.memory_space<hbm>> -> memref<1x224x224xf32, #tpu.memory_space<hbm>>
    %dma_wait3A_430 = arith.constant 0 : i32
    %dma_wait3A_431 = arith.constant 0 : i32
    %dma_wait3A_432 = arith.constant 0 : i32
    %dma_wait3A_433 = tpu.memref_slice %arg4[%dma_wait3A_430, %dma_wait3A_431, %dma_wait3A_432] : memref<768x224x224xf32, #tpu.memory_space<hbm>> -> memref<1x224x224xf32, #tpu.memory_space<hbm>>
    tpu.wait_dma2 semaphore(%arg11 : memref<!tpu.dma_semaphore, #tpu.memory_space<semaphore_mem>>) src(%arg7 : memref<1x224x224xf32, #tpu.memory_space<vmem>>) dst(%dma_wait3A_433 : memref<1x224x224xf32, #tpu.memory_space<hbm>>)
    %dma_start3A_434 = arith.constant 0 : i32
    %dma_start3A_435 = arith.constant 0 : i32
    %dma_start3A_436 = tpu.memref_slice %arg2[%squeeze3A_425, %dma_start3A_434, %dma_start3A_435] : memref<768x224x224xf32, #tpu.memory_space<hbm>> -> memref<1x224x224xf32, #tpu.memory_space<hbm>>
    %dma_start3A_437 = arith.constant 0 : i32
    %dma_start3A_438 = arith.constant 0 : i32
    %dma_start3A_439 = tpu.memref_slice %arg2[%squeeze3A_425, %dma_start3A_437, %dma_start3A_438] : memref<768x224x224xf32, #tpu.memory_space<hbm>> -> memref<1x224x224xf32, #tpu.memory_space<hbm>>
    tpu.enqueue_dma source(%dma_start3A_439 : memref<1x224x224xf32, #tpu.memory_space<hbm>>) target(%arg7 : memref<1x224x224xf32, #tpu.memory_space<vmem>>) target_semaphore(%arg9 : memref<!tpu.dma_semaphore, #tpu.memory_space<semaphore_mem>>)
    %dma_wait3A_440 = arith.constant 0 : i32
    %dma_wait3A_441 = arith.constant 0 : i32
    %dma_wait3A_442 = tpu.memref_slice %arg2[%squeeze3A_393, %dma_wait3A_440, %dma_wait3A_441] : memref<768x224x224xf32, #tpu.memory_space<hbm>> -> memref<1x224x224xf32, #tpu.memory_space<hbm>>
    %dma_wait3A_443 = arith.constant 0 : i32
    %dma_wait3A_444 = arith.constant 0 : i32
    %dma_wait3A_445 = tpu.memref_slice %arg2[%squeeze3A_393, %dma_wait3A_443, %dma_wait3A_444] : memref<768x224x224xf32, #tpu.memory_space<hbm>> -> memref<1x224x224xf32, #tpu.memory_space<hbm>>
    tpu.wait_dma2 semaphore(%arg8 : memref<!tpu.dma_semaphore, #tpu.memory_space<semaphore_mem>>) src(%dma_wait3A_445 : memref<1x224x224xf32, #tpu.memory_space<hbm>>) dst(%arg6 : memref<1x224x224xf32, #tpu.memory_space<vmem>>)
    %add3A_446 = arith.constant 13 : i32
    %add3A_447 = arith.addi %mul3A_2, %add3A_446 : i32
    %sub3A_448 = arith.constant 1 : i32
    %sub3A_449 = arith.subi %add3A_447, %sub3A_448 : i32
    %dma_start3A_450 = arith.constant 0 : i32
    %dma_start3A_451 = arith.constant 0 : i32
    %dma_start3A_452 = tpu.memref_slice %arg4[%sub3A_449, %dma_start3A_450, %dma_start3A_451] : memref<768x224x224xf32, #tpu.memory_space<hbm>> -> memref<1x224x224xf32, #tpu.memory_space<hbm>>
    %dma_start3A_453 = arith.constant 0 : i32
    %dma_start3A_454 = arith.constant 0 : i32
    %dma_start3A_455 = tpu.memref_slice %arg4[%sub3A_449, %dma_start3A_453, %dma_start3A_454] : memref<768x224x224xf32, #tpu.memory_space<hbm>> -> memref<1x224x224xf32, #tpu.memory_space<hbm>>
    tpu.enqueue_dma source(%arg6 : memref<1x224x224xf32, #tpu.memory_space<vmem>>) target(%dma_start3A_455 : memref<1x224x224xf32, #tpu.memory_space<hbm>>) target_semaphore(%arg10 : memref<!tpu.dma_semaphore, #tpu.memory_space<semaphore_mem>>)
    %slice3A_456 = vector.extract_strided_slice %add3A_39 {offsets = [14], sizes = [1], strides = [1]} : vector<16xi32> to vector<1xi32>
    %squeeze3A_457 = vector.extract %slice3A_456[0] : i32 from vector<1xi32>
    %dma_wait3A_458 = arith.constant 0 : i32
    %dma_wait3A_459 = arith.constant 0 : i32
    %dma_wait3A_460 = arith.constant 0 : i32
    %dma_wait3A_461 = tpu.memref_slice %arg4[%dma_wait3A_458, %dma_wait3A_459, %dma_wait3A_460] : memref<768x224x224xf32, #tpu.memory_space<hbm>> -> memref<1x224x224xf32, #tpu.memory_space<hbm>>
    %dma_wait3A_462 = arith.constant 0 : i32
    %dma_wait3A_463 = arith.constant 0 : i32
    %dma_wait3A_464 = arith.constant 0 : i32
    %dma_wait3A_465 = tpu.memref_slice %arg4[%dma_wait3A_462, %dma_wait3A_463, %dma_wait3A_464] : memref<768x224x224xf32, #tpu.memory_space<hbm>> -> memref<1x224x224xf32, #tpu.memory_space<hbm>>
    tpu.wait_dma2 semaphore(%arg10 : memref<!tpu.dma_semaphore, #tpu.memory_space<semaphore_mem>>) src(%arg6 : memref<1x224x224xf32, #tpu.memory_space<vmem>>) dst(%dma_wait3A_465 : memref<1x224x224xf32, #tpu.memory_space<hbm>>)
    %dma_start3A_466 = arith.constant 0 : i32
    %dma_start3A_467 = arith.constant 0 : i32
    %dma_start3A_468 = tpu.memref_slice %arg2[%squeeze3A_457, %dma_start3A_466, %dma_start3A_467] : memref<768x224x224xf32, #tpu.memory_space<hbm>> -> memref<1x224x224xf32, #tpu.memory_space<hbm>>
    %dma_start3A_469 = arith.constant 0 : i32
    %dma_start3A_470 = arith.constant 0 : i32
    %dma_start3A_471 = tpu.memref_slice %arg2[%squeeze3A_457, %dma_start3A_469, %dma_start3A_470] : memref<768x224x224xf32, #tpu.memory_space<hbm>> -> memref<1x224x224xf32, #tpu.memory_space<hbm>>
    tpu.enqueue_dma source(%dma_start3A_471 : memref<1x224x224xf32, #tpu.memory_space<hbm>>) target(%arg6 : memref<1x224x224xf32, #tpu.memory_space<vmem>>) target_semaphore(%arg8 : memref<!tpu.dma_semaphore, #tpu.memory_space<semaphore_mem>>)
    %dma_wait3A_472 = arith.constant 0 : i32
    %dma_wait3A_473 = arith.constant 0 : i32
    %dma_wait3A_474 = tpu.memref_slice %arg2[%squeeze3A_425, %dma_wait3A_472, %dma_wait3A_473] : memref<768x224x224xf32, #tpu.memory_space<hbm>> -> memref<1x224x224xf32, #tpu.memory_space<hbm>>
    %dma_wait3A_475 = arith.constant 0 : i32
    %dma_wait3A_476 = arith.constant 0 : i32
    %dma_wait3A_477 = tpu.memref_slice %arg2[%squeeze3A_425, %dma_wait3A_475, %dma_wait3A_476] : memref<768x224x224xf32, #tpu.memory_space<hbm>> -> memref<1x224x224xf32, #tpu.memory_space<hbm>>
    tpu.wait_dma2 semaphore(%arg9 : memref<!tpu.dma_semaphore, #tpu.memory_space<semaphore_mem>>) src(%dma_wait3A_477 : memref<1x224x224xf32, #tpu.memory_space<hbm>>) dst(%arg7 : memref<1x224x224xf32, #tpu.memory_space<vmem>>)
    %add3A_478 = arith.constant 14 : i32
    %add3A_479 = arith.addi %mul3A_2, %add3A_478 : i32
    %sub3A_480 = arith.constant 1 : i32
    %sub3A_481 = arith.subi %add3A_479, %sub3A_480 : i32
    %dma_start3A_482 = arith.constant 0 : i32
    %dma_start3A_483 = arith.constant 0 : i32
    %dma_start3A_484 = tpu.memref_slice %arg4[%sub3A_481, %dma_start3A_482, %dma_start3A_483] : memref<768x224x224xf32, #tpu.memory_space<hbm>> -> memref<1x224x224xf32, #tpu.memory_space<hbm>>
    %dma_start3A_485 = arith.constant 0 : i32
    %dma_start3A_486 = arith.constant 0 : i32
    %dma_start3A_487 = tpu.memref_slice %arg4[%sub3A_481, %dma_start3A_485, %dma_start3A_486] : memref<768x224x224xf32, #tpu.memory_space<hbm>> -> memref<1x224x224xf32, #tpu.memory_space<hbm>>
    tpu.enqueue_dma source(%arg7 : memref<1x224x224xf32, #tpu.memory_space<vmem>>) target(%dma_start3A_487 : memref<1x224x224xf32, #tpu.memory_space<hbm>>) target_semaphore(%arg11 : memref<!tpu.dma_semaphore, #tpu.memory_space<semaphore_mem>>)
    %slice3A_488 = vector.extract_strided_slice %add3A_39 {offsets = [15], sizes = [1], strides = [1]} : vector<16xi32> to vector<1xi32>
    %squeeze3A_489 = vector.extract %slice3A_488[0] : i32 from vector<1xi32>
    %dma_wait3A_490 = arith.constant 0 : i32
    %dma_wait3A_491 = arith.constant 0 : i32
    %dma_wait3A_492 = arith.constant 0 : i32
    %dma_wait3A_493 = tpu.memref_slice %arg4[%dma_wait3A_490, %dma_wait3A_491, %dma_wait3A_492] : memref<768x224x224xf32, #tpu.memory_space<hbm>> -> memref<1x224x224xf32, #tpu.memory_space<hbm>>
    %dma_wait3A_494 = arith.constant 0 : i32
    %dma_wait3A_495 = arith.constant 0 : i32
    %dma_wait3A_496 = arith.constant 0 : i32
    %dma_wait3A_497 = tpu.memref_slice %arg4[%dma_wait3A_494, %dma_wait3A_495, %dma_wait3A_496] : memref<768x224x224xf32, #tpu.memory_space<hbm>> -> memref<1x224x224xf32, #tpu.memory_space<hbm>>
    tpu.wait_dma2 semaphore(%arg11 : memref<!tpu.dma_semaphore, #tpu.memory_space<semaphore_mem>>) src(%arg7 : memref<1x224x224xf32, #tpu.memory_space<vmem>>) dst(%dma_wait3A_497 : memref<1x224x224xf32, #tpu.memory_space<hbm>>)
    %dma_start3A_498 = arith.constant 0 : i32
    %dma_start3A_499 = arith.constant 0 : i32
    %dma_start3A_500 = tpu.memref_slice %arg2[%squeeze3A_489, %dma_start3A_498, %dma_start3A_499] : memref<768x224x224xf32, #tpu.memory_space<hbm>> -> memref<1x224x224xf32, #tpu.memory_space<hbm>>
    %dma_start3A_501 = arith.constant 0 : i32
    %dma_start3A_502 = arith.constant 0 : i32
    %dma_start3A_503 = tpu.memref_slice %arg2[%squeeze3A_489, %dma_start3A_501, %dma_start3A_502] : memref<768x224x224xf32, #tpu.memory_space<hbm>> -> memref<1x224x224xf32, #tpu.memory_space<hbm>>
    tpu.enqueue_dma source(%dma_start3A_503 : memref<1x224x224xf32, #tpu.memory_space<hbm>>) target(%arg7 : memref<1x224x224xf32, #tpu.memory_space<vmem>>) target_semaphore(%arg9 : memref<!tpu.dma_semaphore, #tpu.memory_space<semaphore_mem>>)
    %dma_wait3A_504 = arith.constant 0 : i32
    %dma_wait3A_505 = arith.constant 0 : i32
    %dma_wait3A_506 = tpu.memref_slice %arg2[%squeeze3A_457, %dma_wait3A_504, %dma_wait3A_505] : memref<768x224x224xf32, #tpu.memory_space<hbm>> -> memref<1x224x224xf32, #tpu.memory_space<hbm>>
    %dma_wait3A_507 = arith.constant 0 : i32
    %dma_wait3A_508 = arith.constant 0 : i32
    %dma_wait3A_509 = tpu.memref_slice %arg2[%squeeze3A_457, %dma_wait3A_507, %dma_wait3A_508] : memref<768x224x224xf32, #tpu.memory_space<hbm>> -> memref<1x224x224xf32, #tpu.memory_space<hbm>>
    tpu.wait_dma2 semaphore(%arg8 : memref<!tpu.dma_semaphore, #tpu.memory_space<semaphore_mem>>) src(%dma_wait3A_509 : memref<1x224x224xf32, #tpu.memory_space<hbm>>) dst(%arg6 : memref<1x224x224xf32, #tpu.memory_space<vmem>>)
    %add3A_510 = arith.constant 15 : i32
    %add3A_511 = arith.addi %mul3A_2, %add3A_510 : i32
    %sub3A_512 = arith.constant 1 : i32
    %sub3A_513 = arith.subi %add3A_511, %sub3A_512 : i32
    %dma_start3A_514 = arith.constant 0 : i32
    %dma_start3A_515 = arith.constant 0 : i32
    %dma_start3A_516 = tpu.memref_slice %arg4[%sub3A_513, %dma_start3A_514, %dma_start3A_515] : memref<768x224x224xf32, #tpu.memory_space<hbm>> -> memref<1x224x224xf32, #tpu.memory_space<hbm>>
    %dma_start3A_517 = arith.constant 0 : i32
    %dma_start3A_518 = arith.constant 0 : i32
    %dma_start3A_519 = tpu.memref_slice %arg4[%sub3A_513, %dma_start3A_517, %dma_start3A_518] : memref<768x224x224xf32, #tpu.memory_space<hbm>> -> memref<1x224x224xf32, #tpu.memory_space<hbm>>
    tpu.enqueue_dma source(%arg6 : memref<1x224x224xf32, #tpu.memory_space<vmem>>) target(%dma_start3A_519 : memref<1x224x224xf32, #tpu.memory_space<hbm>>) target_semaphore(%arg10 : memref<!tpu.dma_semaphore, #tpu.memory_space<semaphore_mem>>)
    %slice3A_520 = vector.extract_strided_slice %add3A_43 {offsets = [0], sizes = [1], strides = [1]} : vector<16xi32> to vector<1xi32>
    %squeeze3A_521 = vector.extract %slice3A_520[0] : i32 from vector<1xi32>
    %dma_wait3A_522 = arith.constant 0 : i32
    %dma_wait3A_523 = arith.constant 0 : i32
    %dma_wait3A_524 = arith.constant 0 : i32
    %dma_wait3A_525 = tpu.memref_slice %arg4[%dma_wait3A_522, %dma_wait3A_523, %dma_wait3A_524] : memref<768x224x224xf32, #tpu.memory_space<hbm>> -> memref<1x224x224xf32, #tpu.memory_space<hbm>>
    %dma_wait3A_526 = arith.constant 0 : i32
    %dma_wait3A_527 = arith.constant 0 : i32
    %dma_wait3A_528 = arith.constant 0 : i32
    %dma_wait3A_529 = tpu.memref_slice %arg4[%dma_wait3A_526, %dma_wait3A_527, %dma_wait3A_528] : memref<768x224x224xf32, #tpu.memory_space<hbm>> -> memref<1x224x224xf32, #tpu.memory_space<hbm>>
    tpu.wait_dma2 semaphore(%arg10 : memref<!tpu.dma_semaphore, #tpu.memory_space<semaphore_mem>>) src(%arg6 : memref<1x224x224xf32, #tpu.memory_space<vmem>>) dst(%dma_wait3A_529 : memref<1x224x224xf32, #tpu.memory_space<hbm>>)
    %dma_start3A_530 = arith.constant 0 : i32
    %dma_start3A_531 = arith.constant 0 : i32
    %dma_start3A_532 = tpu.memref_slice %arg2[%squeeze3A_521, %dma_start3A_530, %dma_start3A_531] : memref<768x224x224xf32, #tpu.memory_space<hbm>> -> memref<1x224x224xf32, #tpu.memory_space<hbm>>
    %dma_start3A_533 = arith.constant 0 : i32
    %dma_start3A_534 = arith.constant 0 : i32
    %dma_start3A_535 = tpu.memref_slice %arg2[%squeeze3A_521, %dma_start3A_533, %dma_start3A_534] : memref<768x224x224xf32, #tpu.memory_space<hbm>> -> memref<1x224x224xf32, #tpu.memory_space<hbm>>
    tpu.enqueue_dma source(%dma_start3A_535 : memref<1x224x224xf32, #tpu.memory_space<hbm>>) target(%arg6 : memref<1x224x224xf32, #tpu.memory_space<vmem>>) target_semaphore(%arg8 : memref<!tpu.dma_semaphore, #tpu.memory_space<semaphore_mem>>)
    %dma_wait3A_536 = arith.constant 0 : i32
    %dma_wait3A_537 = arith.constant 0 : i32
    %dma_wait3A_538 = tpu.memref_slice %arg2[%squeeze3A_489, %dma_wait3A_536, %dma_wait3A_537] : memref<768x224x224xf32, #tpu.memory_space<hbm>> -> memref<1x224x224xf32, #tpu.memory_space<hbm>>
    %dma_wait3A_539 = arith.constant 0 : i32
    %dma_wait3A_540 = arith.constant 0 : i32
    %dma_wait3A_541 = tpu.memref_slice %arg2[%squeeze3A_489, %dma_wait3A_539, %dma_wait3A_540] : memref<768x224x224xf32, #tpu.memory_space<hbm>> -> memref<1x224x224xf32, #tpu.memory_space<hbm>>
    tpu.wait_dma2 semaphore(%arg9 : memref<!tpu.dma_semaphore, #tpu.memory_space<semaphore_mem>>) src(%dma_wait3A_541 : memref<1x224x224xf32, #tpu.memory_space<hbm>>) dst(%arg7 : memref<1x224x224xf32, #tpu.memory_space<vmem>>)
    %add3A_542 = arith.constant 16 : i32
    %add3A_543 = arith.addi %mul3A_2, %add3A_542 : i32
    %sub3A_544 = arith.constant 1 : i32
    %sub3A_545 = arith.subi %add3A_543, %sub3A_544 : i32
    %dma_start3A_546 = arith.constant 0 : i32
    %dma_start3A_547 = arith.constant 0 : i32
    %dma_start3A_548 = tpu.memref_slice %arg4[%sub3A_545, %dma_start3A_546, %dma_start3A_547] : memref<768x224x224xf32, #tpu.memory_space<hbm>> -> memref<1x224x224xf32, #tpu.memory_space<hbm>>
    %dma_start3A_549 = arith.constant 0 : i32
    %dma_start3A_550 = arith.constant 0 : i32
    %dma_start3A_551 = tpu.memref_slice %arg4[%sub3A_545, %dma_start3A_549, %dma_start3A_550] : memref<768x224x224xf32, #tpu.memory_space<hbm>> -> memref<1x224x224xf32, #tpu.memory_space<hbm>>
    tpu.enqueue_dma source(%arg7 : memref<1x224x224xf32, #tpu.memory_space<vmem>>) target(%dma_start3A_551 : memref<1x224x224xf32, #tpu.memory_space<hbm>>) target_semaphore(%arg11 : memref<!tpu.dma_semaphore, #tpu.memory_space<semaphore_mem>>)
    %slice3A_552 = vector.extract_strided_slice %add3A_43 {offsets = [1], sizes = [1], strides = [1]} : vector<16xi32> to vector<1xi32>
    %squeeze3A_553 = vector.extract %slice3A_552[0] : i32 from vector<1xi32>
    %dma_wait3A_554 = arith.constant 0 : i32
    %dma_wait3A_555 = arith.constant 0 : i32
    %dma_wait3A_556 = arith.constant 0 : i32
    %dma_wait3A_557 = tpu.memref_slice %arg4[%dma_wait3A_554, %dma_wait3A_555, %dma_wait3A_556] : memref<768x224x224xf32, #tpu.memory_space<hbm>> -> memref<1x224x224xf32, #tpu.memory_space<hbm>>
    %dma_wait3A_558 = arith.constant 0 : i32
    %dma_wait3A_559 = arith.constant 0 : i32
    %dma_wait3A_560 = arith.constant 0 : i32
    %dma_wait3A_561 = tpu.memref_slice %arg4[%dma_wait3A_558, %dma_wait3A_559, %dma_wait3A_560] : memref<768x224x224xf32, #tpu.memory_space<hbm>> -> memref<1x224x224xf32, #tpu.memory_space<hbm>>
    tpu.wait_dma2 semaphore(%arg11 : memref<!tpu.dma_semaphore, #tpu.memory_space<semaphore_mem>>) src(%arg7 : memref<1x224x224xf32, #tpu.memory_space<vmem>>) dst(%dma_wait3A_561 : memref<1x224x224xf32, #tpu.memory_space<hbm>>)
    %dma_start3A_562 = arith.constant 0 : i32
    %dma_start3A_563 = arith.constant 0 : i32
    %dma_start3A_564 = tpu.memref_slice %arg2[%squeeze3A_553, %dma_start3A_562, %dma_start3A_563] : memref<768x224x224xf32, #tpu.memory_space<hbm>> -> memref<1x224x224xf32, #tpu.memory_space<hbm>>
    %dma_start3A_565 = arith.constant 0 : i32
    %dma_start3A_566 = arith.constant 0 : i32
    %dma_start3A_567 = tpu.memref_slice %arg2[%squeeze3A_553, %dma_start3A_565, %dma_start3A_566] : memref<768x224x224xf32, #tpu.memory_space<hbm>> -> memref<1x224x224xf32, #tpu.memory_space<hbm>>
    tpu.enqueue_dma source(%dma_start3A_567 : memref<1x224x224xf32, #tpu.memory_space<hbm>>) target(%arg7 : memref<1x224x224xf32, #tpu.memory_space<vmem>>) target_semaphore(%arg9 : memref<!tpu.dma_semaphore, #tpu.memory_space<semaphore_mem>>)
    %dma_wait3A_568 = arith.constant 0 : i32
    %dma_wait3A_569 = arith.constant 0 : i32
    %dma_wait3A_570 = tpu.memref_slice %arg2[%squeeze3A_521, %dma_wait3A_568, %dma_wait3A_569] : memref<768x224x224xf32, #tpu.memory_space<hbm>> -> memref<1x224x224xf32, #tpu.memory_space<hbm>>
    %dma_wait3A_571 = arith.constant 0 : i32
    %dma_wait3A_572 = arith.constant 0 : i32
    %dma_wait3A_573 = tpu.memref_slice %arg2[%squeeze3A_521, %dma_wait3A_571, %dma_wait3A_572] : memref<768x224x224xf32, #tpu.memory_space<hbm>> -> memref<1x224x224xf32, #tpu.memory_space<hbm>>
    tpu.wait_dma2 semaphore(%arg8 : memref<!tpu.dma_semaphore, #tpu.memory_space<semaphore_mem>>) src(%dma_wait3A_573 : memref<1x224x224xf32, #tpu.memory_space<hbm>>) dst(%arg6 : memref<1x224x224xf32, #tpu.memory_space<vmem>>)
    %add3A_574 = arith.constant 17 : i32
    %add3A_575 = arith.addi %mul3A_2, %add3A_574 : i32
    %sub3A_576 = arith.constant 1 : i32
    %sub3A_577 = arith.subi %add3A_575, %sub3A_576 : i32
    %dma_start3A_578 = arith.constant 0 : i32
    %dma_start3A_579 = arith.constant 0 : i32
    %dma_start3A_580 = tpu.memref_slice %arg4[%sub3A_577, %dma_start3A_578, %dma_start3A_579] : memref<768x224x224xf32, #tpu.memory_space<hbm>> -> memref<1x224x224xf32, #tpu.memory_space<hbm>>
    %dma_start3A_581 = arith.constant 0 : i32
    %dma_start3A_582 = arith.constant 0 : i32
    %dma_start3A_583 = tpu.memref_slice %arg4[%sub3A_577, %dma_start3A_581, %dma_start3A_582] : memref<768x224x224xf32, #tpu.memory_space<hbm>> -> memref<1x224x224xf32, #tpu.memory_space<hbm>>
    tpu.enqueue_dma source(%arg6 : memref<1x224x224xf32, #tpu.memory_space<vmem>>) target(%dma_start3A_583 : memref<1x224x224xf32, #tpu.memory_space<hbm>>) target_semaphore(%arg10 : memref<!tpu.dma_semaphore, #tpu.memory_space<semaphore_mem>>)
    %slice3A_584 = vector.extract_strided_slice %add3A_43 {offsets = [2], sizes = [1], strides = [1]} : vector<16xi32> to vector<1xi32>
    %squeeze3A_585 = vector.extract %slice3A_584[0] : i32 from vector<1xi32>
    %dma_wait3A_586 = arith.constant 0 : i32
    %dma_wait3A_587 = arith.constant 0 : i32
    %dma_wait3A_588 = arith.constant 0 : i32
    %dma_wait3A_589 = tpu.memref_slice %arg4[%dma_wait3A_586, %dma_wait3A_587, %dma_wait3A_588] : memref<768x224x224xf32, #tpu.memory_space<hbm>> -> memref<1x224x224xf32, #tpu.memory_space<hbm>>
    %dma_wait3A_590 = arith.constant 0 : i32
    %dma_wait3A_591 = arith.constant 0 : i32
    %dma_wait3A_592 = arith.constant 0 : i32
    %dma_wait3A_593 = tpu.memref_slice %arg4[%dma_wait3A_590, %dma_wait3A_591, %dma_wait3A_592] : memref<768x224x224xf32, #tpu.memory_space<hbm>> -> memref<1x224x224xf32, #tpu.memory_space<hbm>>
    tpu.wait_dma2 semaphore(%arg10 : memref<!tpu.dma_semaphore, #tpu.memory_space<semaphore_mem>>) src(%arg6 : memref<1x224x224xf32, #tpu.memory_space<vmem>>) dst(%dma_wait3A_593 : memref<1x224x224xf32, #tpu.memory_space<hbm>>)
    %dma_start3A_594 = arith.constant 0 : i32
    %dma_start3A_595 = arith.constant 0 : i32
    %dma_start3A_596 = tpu.memref_slice %arg2[%squeeze3A_585, %dma_start3A_594, %dma_start3A_595] : memref<768x224x224xf32, #tpu.memory_space<hbm>> -> memref<1x224x224xf32, #tpu.memory_space<hbm>>
    %dma_start3A_597 = arith.constant 0 : i32
    %dma_start3A_598 = arith.constant 0 : i32
    %dma_start3A_599 = tpu.memref_slice %arg2[%squeeze3A_585, %dma_start3A_597, %dma_start3A_598] : memref<768x224x224xf32, #tpu.memory_space<hbm>> -> memref<1x224x224xf32, #tpu.memory_space<hbm>>
    tpu.enqueue_dma source(%dma_start3A_599 : memref<1x224x224xf32, #tpu.memory_space<hbm>>) target(%arg6 : memref<1x224x224xf32, #tpu.memory_space<vmem>>) target_semaphore(%arg8 : memref<!tpu.dma_semaphore, #tpu.memory_space<semaphore_mem>>)
    %dma_wait3A_600 = arith.constant 0 : i32
    %dma_wait3A_601 = arith.constant 0 : i32
    %dma_wait3A_602 = tpu.memref_slice %arg2[%squeeze3A_553, %dma_wait3A_600, %dma_wait3A_601] : memref<768x224x224xf32, #tpu.memory_space<hbm>> -> memref<1x224x224xf32, #tpu.memory_space<hbm>>
    %dma_wait3A_603 = arith.constant 0 : i32
    %dma_wait3A_604 = arith.constant 0 : i32
    %dma_wait3A_605 = tpu.memref_slice %arg2[%squeeze3A_553, %dma_wait3A_603, %dma_wait3A_604] : memref<768x224x224xf32, #tpu.memory_space<hbm>> -> memref<1x224x224xf32, #tpu.memory_space<hbm>>
    tpu.wait_dma2 semaphore(%arg9 : memref<!tpu.dma_semaphore, #tpu.memory_space<semaphore_mem>>) src(%dma_wait3A_605 : memref<1x224x224xf32, #tpu.memory_space<hbm>>) dst(%arg7 : memref<1x224x224xf32, #tpu.memory_space<vmem>>)
    %add3A_606 = arith.constant 18 : i32
    %add3A_607 = arith.addi %mul3A_2, %add3A_606 : i32
    %sub3A_608 = arith.constant 1 : i32
    %sub3A_609 = arith.subi %add3A_607, %sub3A_608 : i32
    %dma_start3A_610 = arith.constant 0 : i32
    %dma_start3A_611 = arith.constant 0 : i32
    %dma_start3A_612 = tpu.memref_slice %arg4[%sub3A_609, %dma_start3A_610, %dma_start3A_611] : memref<768x224x224xf32, #tpu.memory_space<hbm>> -> memref<1x224x224xf32, #tpu.memory_space<hbm>>
    %dma_start3A_613 = arith.constant 0 : i32
    %dma_start3A_614 = arith.constant 0 : i32
    %dma_start3A_615 = tpu.memref_slice %arg4[%sub3A_609, %dma_start3A_613, %dma_start3A_614] : memref<768x224x224xf32, #tpu.memory_space<hbm>> -> memref<1x224x224xf32, #tpu.memory_space<hbm>>
    tpu.enqueue_dma source(%arg7 : memref<1x224x224xf32, #tpu.memory_space<vmem>>) target(%dma_start3A_615 : memref<1x224x224xf32, #tpu.memory_space<hbm>>) target_semaphore(%arg11 : memref<!tpu.dma_semaphore, #tpu.memory_space<semaphore_mem>>)
    %slice3A_616 = vector.extract_strided_slice %add3A_43 {offsets = [3], sizes = [1], strides = [1]} : vector<16xi32> to vector<1xi32>
    %squeeze3A_617 = vector.extract %slice3A_616[0] : i32 from vector<1xi32>
    %dma_wait3A_618 = arith.constant 0 : i32
    %dma_wait3A_619 = arith.constant 0 : i32
    %dma_wait3A_620 = arith.constant 0 : i32
    %dma_wait3A_621 = tpu.memref_slice %arg4[%dma_wait3A_618, %dma_wait3A_619, %dma_wait3A_620] : memref<768x224x224xf32, #tpu.memory_space<hbm>> -> memref<1x224x224xf32, #tpu.memory_space<hbm>>
    %dma_wait3A_622 = arith.constant 0 : i32
    %dma_wait3A_623 = arith.constant 0 : i32
    %dma_wait3A_624 = arith.constant 0 : i32
    %dma_wait3A_625 = tpu.memref_slice %arg4[%dma_wait3A_622, %dma_wait3A_623, %dma_wait3A_624] : memref<768x224x224xf32, #tpu.memory_space<hbm>> -> memref<1x224x224xf32, #tpu.memory_space<hbm>>
    tpu.wait_dma2 semaphore(%arg11 : memref<!tpu.dma_semaphore, #tpu.memory_space<semaphore_mem>>) src(%arg7 : memref<1x224x224xf32, #tpu.memory_space<vmem>>) dst(%dma_wait3A_625 : memref<1x224x224xf32, #tpu.memory_space<hbm>>)
    %dma_start3A_626 = arith.constant 0 : i32
    %dma_start3A_627 = arith.constant 0 : i32
    %dma_start3A_628 = tpu.memref_slice %arg2[%squeeze3A_617, %dma_start3A_626, %dma_start3A_627] : memref<768x224x224xf32, #tpu.memory_space<hbm>> -> memref<1x224x224xf32, #tpu.memory_space<hbm>>
    %dma_start3A_629 = arith.constant 0 : i32
    %dma_start3A_630 = arith.constant 0 : i32
    %dma_start3A_631 = tpu.memref_slice %arg2[%squeeze3A_617, %dma_start3A_629, %dma_start3A_630] : memref<768x224x224xf32, #tpu.memory_space<hbm>> -> memref<1x224x224xf32, #tpu.memory_space<hbm>>
    tpu.enqueue_dma source(%dma_start3A_631 : memref<1x224x224xf32, #tpu.memory_space<hbm>>) target(%arg7 : memref<1x224x224xf32, #tpu.memory_space<vmem>>) target_semaphore(%arg9 : memref<!tpu.dma_semaphore, #tpu.memory_space<semaphore_mem>>)
    %dma_wait3A_632 = arith.constant 0 : i32
    %dma_wait3A_633 = arith.constant 0 : i32
    %dma_wait3A_634 = tpu.memref_slice %arg2[%squeeze3A_585, %dma_wait3A_632, %dma_wait3A_633] : memref<768x224x224xf32, #tpu.memory_space<hbm>> -> memref<1x224x224xf32, #tpu.memory_space<hbm>>
    %dma_wait3A_635 = arith.constant 0 : i32
    %dma_wait3A_636 = arith.constant 0 : i32
    %dma_wait3A_637 = tpu.memref_slice %arg2[%squeeze3A_585, %dma_wait3A_635, %dma_wait3A_636] : memref<768x224x224xf32, #tpu.memory_space<hbm>> -> memref<1x224x224xf32, #tpu.memory_space<hbm>>
    tpu.wait_dma2 semaphore(%arg8 : memref<!tpu.dma_semaphore, #tpu.memory_space<semaphore_mem>>) src(%dma_wait3A_637 : memref<1x224x224xf32, #tpu.memory_space<hbm>>) dst(%arg6 : memref<1x224x224xf32, #tpu.memory_space<vmem>>)
    %add3A_638 = arith.constant 19 : i32
    %add3A_639 = arith.addi %mul3A_2, %add3A_638 : i32
    %sub3A_640 = arith.constant 1 : i32
    %sub3A_641 = arith.subi %add3A_639, %sub3A_640 : i32
    %dma_start3A_642 = arith.constant 0 : i32
    %dma_start3A_643 = arith.constant 0 : i32
    %dma_start3A_644 = tpu.memref_slice %arg4[%sub3A_641, %dma_start3A_642, %dma_start3A_643] : memref<768x224x224xf32, #tpu.memory_space<hbm>> -> memref<1x224x224xf32, #tpu.memory_space<hbm>>
    %dma_start3A_645 = arith.constant 0 : i32
    %dma_start3A_646 = arith.constant 0 : i32
    %dma_start3A_647 = tpu.memref_slice %arg4[%sub3A_641, %dma_start3A_645, %dma_start3A_646] : memref<768x224x224xf32, #tpu.memory_space<hbm>> -> memref<1x224x224xf32, #tpu.memory_space<hbm>>
    tpu.enqueue_dma source(%arg6 : memref<1x224x224xf32, #tpu.memory_space<vmem>>) target(%dma_start3A_647 : memref<1x224x224xf32, #tpu.memory_space<hbm>>) target_semaphore(%arg10 : memref<!tpu.dma_semaphore, #tpu.memory_space<semaphore_mem>>)
    %slice3A_648 = vector.extract_strided_slice %add3A_43 {offsets = [4], sizes = [1], strides = [1]} : vector<16xi32> to vector<1xi32>
    %squeeze3A_649 = vector.extract %slice3A_648[0] : i32 from vector<1xi32>
    %dma_wait3A_650 = arith.constant 0 : i32
    %dma_wait3A_651 = arith.constant 0 : i32
    %dma_wait3A_652 = arith.constant 0 : i32
    %dma_wait3A_653 = tpu.memref_slice %arg4[%dma_wait3A_650, %dma_wait3A_651, %dma_wait3A_652] : memref<768x224x224xf32, #tpu.memory_space<hbm>> -> memref<1x224x224xf32, #tpu.memory_space<hbm>>
    %dma_wait3A_654 = arith.constant 0 : i32
    %dma_wait3A_655 = arith.constant 0 : i32
    %dma_wait3A_656 = arith.constant 0 : i32
    %dma_wait3A_657 = tpu.memref_slice %arg4[%dma_wait3A_654, %dma_wait3A_655, %dma_wait3A_656] : memref<768x224x224xf32, #tpu.memory_space<hbm>> -> memref<1x224x224xf32, #tpu.memory_space<hbm>>
    tpu.wait_dma2 semaphore(%arg10 : memref<!tpu.dma_semaphore, #tpu.memory_space<semaphore_mem>>) src(%arg6 : memref<1x224x224xf32, #tpu.memory_space<vmem>>) dst(%dma_wait3A_657 : memref<1x224x224xf32, #tpu.memory_space<hbm>>)
    %dma_start3A_658 = arith.constant 0 : i32
    %dma_start3A_659 = arith.constant 0 : i32
    %dma_start3A_660 = tpu.memref_slice %arg2[%squeeze3A_649, %dma_start3A_658, %dma_start3A_659] : memref<768x224x224xf32, #tpu.memory_space<hbm>> -> memref<1x224x224xf32, #tpu.memory_space<hbm>>
    %dma_start3A_661 = arith.constant 0 : i32
    %dma_start3A_662 = arith.constant 0 : i32
    %dma_start3A_663 = tpu.memref_slice %arg2[%squeeze3A_649, %dma_start3A_661, %dma_start3A_662] : memref<768x224x224xf32, #tpu.memory_space<hbm>> -> memref<1x224x224xf32, #tpu.memory_space<hbm>>
    tpu.enqueue_dma source(%dma_start3A_663 : memref<1x224x224xf32, #tpu.memory_space<hbm>>) target(%arg6 : memref<1x224x224xf32, #tpu.memory_space<vmem>>) target_semaphore(%arg8 : memref<!tpu.dma_semaphore, #tpu.memory_space<semaphore_mem>>)
    %dma_wait3A_664 = arith.constant 0 : i32
    %dma_wait3A_665 = arith.constant 0 : i32
    %dma_wait3A_666 = tpu.memref_slice %arg2[%squeeze3A_617, %dma_wait3A_664, %dma_wait3A_665] : memref<768x224x224xf32, #tpu.memory_space<hbm>> -> memref<1x224x224xf32, #tpu.memory_space<hbm>>
    %dma_wait3A_667 = arith.constant 0 : i32
    %dma_wait3A_668 = arith.constant 0 : i32
    %dma_wait3A_669 = tpu.memref_slice %arg2[%squeeze3A_617, %dma_wait3A_667, %dma_wait3A_668] : memref<768x224x224xf32, #tpu.memory_space<hbm>> -> memref<1x224x224xf32, #tpu.memory_space<hbm>>
    tpu.wait_dma2 semaphore(%arg9 : memref<!tpu.dma_semaphore, #tpu.memory_space<semaphore_mem>>) src(%dma_wait3A_669 : memref<1x224x224xf32, #tpu.memory_space<hbm>>) dst(%arg7 : memref<1x224x224xf32, #tpu.memory_space<vmem>>)
    %add3A_670 = arith.constant 20 : i32
    %add3A_671 = arith.addi %mul3A_2, %add3A_670 : i32
    %sub3A_672 = arith.constant 1 : i32
    %sub3A_673 = arith.subi %add3A_671, %sub3A_672 : i32
    %dma_start3A_674 = arith.constant 0 : i32
    %dma_start3A_675 = arith.constant 0 : i32
    %dma_start3A_676 = tpu.memref_slice %arg4[%sub3A_673, %dma_start3A_674, %dma_start3A_675] : memref<768x224x224xf32, #tpu.memory_space<hbm>> -> memref<1x224x224xf32, #tpu.memory_space<hbm>>
    %dma_start3A_677 = arith.constant 0 : i32
    %dma_start3A_678 = arith.constant 0 : i32
    %dma_start3A_679 = tpu.memref_slice %arg4[%sub3A_673, %dma_start3A_677, %dma_start3A_678] : memref<768x224x224xf32, #tpu.memory_space<hbm>> -> memref<1x224x224xf32, #tpu.memory_space<hbm>>
    tpu.enqueue_dma source(%arg7 : memref<1x224x224xf32, #tpu.memory_space<vmem>>) target(%dma_start3A_679 : memref<1x224x224xf32, #tpu.memory_space<hbm>>) target_semaphore(%arg11 : memref<!tpu.dma_semaphore, #tpu.memory_space<semaphore_mem>>)
    %slice3A_680 = vector.extract_strided_slice %add3A_43 {offsets = [5], sizes = [1], strides = [1]} : vector<16xi32> to vector<1xi32>
    %squeeze3A_681 = vector.extract %slice3A_680[0] : i32 from vector<1xi32>
    %dma_wait3A_682 = arith.constant 0 : i32
    %dma_wait3A_683 = arith.constant 0 : i32
    %dma_wait3A_684 = arith.constant 0 : i32
    %dma_wait3A_685 = tpu.memref_slice %arg4[%dma_wait3A_682, %dma_wait3A_683, %dma_wait3A_684] : memref<768x224x224xf32, #tpu.memory_space<hbm>> -> memref<1x224x224xf32, #tpu.memory_space<hbm>>
    %dma_wait3A_686 = arith.constant 0 : i32
    %dma_wait3A_687 = arith.constant 0 : i32
    %dma_wait3A_688 = arith.constant 0 : i32
    %dma_wait3A_689 = tpu.memref_slice %arg4[%dma_wait3A_686, %dma_wait3A_687, %dma_wait3A_688] : memref<768x224x224xf32, #tpu.memory_space<hbm>> -> memref<1x224x224xf32, #tpu.memory_space<hbm>>
    tpu.wait_dma2 semaphore(%arg11 : memref<!tpu.dma_semaphore, #tpu.memory_space<semaphore_mem>>) src(%arg7 : memref<1x224x224xf32, #tpu.memory_space<vmem>>) dst(%dma_wait3A_689 : memref<1x224x224xf32, #tpu.memory_space<hbm>>)
    %dma_start3A_690 = arith.constant 0 : i32
    %dma_start3A_691 = arith.constant 0 : i32
    %dma_start3A_692 = tpu.memref_slice %arg2[%squeeze3A_681, %dma_start3A_690, %dma_start3A_691] : memref<768x224x224xf32, #tpu.memory_space<hbm>> -> memref<1x224x224xf32, #tpu.memory_space<hbm>>
    %dma_start3A_693 = arith.constant 0 : i32
    %dma_start3A_694 = arith.constant 0 : i32
    %dma_start3A_695 = tpu.memref_slice %arg2[%squeeze3A_681, %dma_start3A_693, %dma_start3A_694] : memref<768x224x224xf32, #tpu.memory_space<hbm>> -> memref<1x224x224xf32, #tpu.memory_space<hbm>>
    tpu.enqueue_dma source(%dma_start3A_695 : memref<1x224x224xf32, #tpu.memory_space<hbm>>) target(%arg7 : memref<1x224x224xf32, #tpu.memory_space<vmem>>) target_semaphore(%arg9 : memref<!tpu.dma_semaphore, #tpu.memory_space<semaphore_mem>>)
    %dma_wait3A_696 = arith.constant 0 : i32
    %dma_wait3A_697 = arith.constant 0 : i32
    %dma_wait3A_698 = tpu.memref_slice %arg2[%squeeze3A_649, %dma_wait3A_696, %dma_wait3A_697] : memref<768x224x224xf32, #tpu.memory_space<hbm>> -> memref<1x224x224xf32, #tpu.memory_space<hbm>>
    %dma_wait3A_699 = arith.constant 0 : i32
    %dma_wait3A_700 = arith.constant 0 : i32
    %dma_wait3A_701 = tpu.memref_slice %arg2[%squeeze3A_649, %dma_wait3A_699, %dma_wait3A_700] : memref<768x224x224xf32, #tpu.memory_space<hbm>> -> memref<1x224x224xf32, #tpu.memory_space<hbm>>
    tpu.wait_dma2 semaphore(%arg8 : memref<!tpu.dma_semaphore, #tpu.memory_space<semaphore_mem>>) src(%dma_wait3A_701 : memref<1x224x224xf32, #tpu.memory_space<hbm>>) dst(%arg6 : memref<1x224x224xf32, #tpu.memory_space<vmem>>)
    %add3A_702 = arith.constant 21 : i32
    %add3A_703 = arith.addi %mul3A_2, %add3A_702 : i32
    %sub3A_704 = arith.constant 1 : i32
    %sub3A_705 = arith.subi %add3A_703, %sub3A_704 : i32
    %dma_start3A_706 = arith.constant 0 : i32
    %dma_start3A_707 = arith.constant 0 : i32
    %dma_start3A_708 = tpu.memref_slice %arg4[%sub3A_705, %dma_start3A_706, %dma_start3A_707] : memref<768x224x224xf32, #tpu.memory_space<hbm>> -> memref<1x224x224xf32, #tpu.memory_space<hbm>>
    %dma_start3A_709 = arith.constant 0 : i32
    %dma_start3A_710 = arith.constant 0 : i32
    %dma_start3A_711 = tpu.memref_slice %arg4[%sub3A_705, %dma_start3A_709, %dma_start3A_710] : memref<768x224x224xf32, #tpu.memory_space<hbm>> -> memref<1x224x224xf32, #tpu.memory_space<hbm>>
    tpu.enqueue_dma source(%arg6 : memref<1x224x224xf32, #tpu.memory_space<vmem>>) target(%dma_start3A_711 : memref<1x224x224xf32, #tpu.memory_space<hbm>>) target_semaphore(%arg10 : memref<!tpu.dma_semaphore, #tpu.memory_space<semaphore_mem>>)
    %slice3A_712 = vector.extract_strided_slice %add3A_43 {offsets = [6], sizes = [1], strides = [1]} : vector<16xi32> to vector<1xi32>
    %squeeze3A_713 = vector.extract %slice3A_712[0] : i32 from vector<1xi32>
    %dma_wait3A_714 = arith.constant 0 : i32
    %dma_wait3A_715 = arith.constant 0 : i32
    %dma_wait3A_716 = arith.constant 0 : i32
    %dma_wait3A_717 = tpu.memref_slice %arg4[%dma_wait3A_714, %dma_wait3A_715, %dma_wait3A_716] : memref<768x224x224xf32, #tpu.memory_space<hbm>> -> memref<1x224x224xf32, #tpu.memory_space<hbm>>
    %dma_wait3A_718 = arith.constant 0 : i32
    %dma_wait3A_719 = arith.constant 0 : i32
    %dma_wait3A_720 = arith.constant 0 : i32
    %dma_wait3A_721 = tpu.memref_slice %arg4[%dma_wait3A_718, %dma_wait3A_719, %dma_wait3A_720] : memref<768x224x224xf32, #tpu.memory_space<hbm>> -> memref<1x224x224xf32, #tpu.memory_space<hbm>>
    tpu.wait_dma2 semaphore(%arg10 : memref<!tpu.dma_semaphore, #tpu.memory_space<semaphore_mem>>) src(%arg6 : memref<1x224x224xf32, #tpu.memory_space<vmem>>) dst(%dma_wait3A_721 : memref<1x224x224xf32, #tpu.memory_space<hbm>>)
    %dma_start3A_722 = arith.constant 0 : i32
    %dma_start3A_723 = arith.constant 0 : i32
    %dma_start3A_724 = tpu.memref_slice %arg2[%squeeze3A_713, %dma_start3A_722, %dma_start3A_723] : memref<768x224x224xf32, #tpu.memory_space<hbm>> -> memref<1x224x224xf32, #tpu.memory_space<hbm>>
    %dma_start3A_725 = arith.constant 0 : i32
    %dma_start3A_726 = arith.constant 0 : i32
    %dma_start3A_727 = tpu.memref_slice %arg2[%squeeze3A_713, %dma_start3A_725, %dma_start3A_726] : memref<768x224x224xf32, #tpu.memory_space<hbm>> -> memref<1x224x224xf32, #tpu.memory_space<hbm>>
    tpu.enqueue_dma source(%dma_start3A_727 : memref<1x224x224xf32, #tpu.memory_space<hbm>>) target(%arg6 : memref<1x224x224xf32, #tpu.memory_space<vmem>>) target_semaphore(%arg8 : memref<!tpu.dma_semaphore, #tpu.memory_space<semaphore_mem>>)
    %dma_wait3A_728 = arith.constant 0 : i32
    %dma_wait3A_729 = arith.constant 0 : i32
    %dma_wait3A_730 = tpu.memref_slice %arg2[%squeeze3A_681, %dma_wait3A_728, %dma_wait3A_729] : memref<768x224x224xf32, #tpu.memory_space<hbm>> -> memref<1x224x224xf32, #tpu.memory_space<hbm>>
    %dma_wait3A_731 = arith.constant 0 : i32
    %dma_wait3A_732 = arith.constant 0 : i32
    %dma_wait3A_733 = tpu.memref_slice %arg2[%squeeze3A_681, %dma_wait3A_731, %dma_wait3A_732] : memref<768x224x224xf32, #tpu.memory_space<hbm>> -> memref<1x224x224xf32, #tpu.memory_space<hbm>>
    tpu.wait_dma2 semaphore(%arg9 : memref<!tpu.dma_semaphore, #tpu.memory_space<semaphore_mem>>) src(%dma_wait3A_733 : memref<1x224x224xf32, #tpu.memory_space<hbm>>) dst(%arg7 : memref<1x224x224xf32, #tpu.memory_space<vmem>>)
    %add3A_734 = arith.constant 22 : i32
    %add3A_735 = arith.addi %mul3A_2, %add3A_734 : i32
    %sub3A_736 = arith.constant 1 : i32
    %sub3A_737 = arith.subi %add3A_735, %sub3A_736 : i32
    %dma_start3A_738 = arith.constant 0 : i32
    %dma_start3A_739 = arith.constant 0 : i32
    %dma_start3A_740 = tpu.memref_slice %arg4[%sub3A_737, %dma_start3A_738, %dma_start3A_739] : memref<768x224x224xf32, #tpu.memory_space<hbm>> -> memref<1x224x224xf32, #tpu.memory_space<hbm>>
    %dma_start3A_741 = arith.constant 0 : i32
    %dma_start3A_742 = arith.constant 0 : i32
    %dma_start3A_743 = tpu.memref_slice %arg4[%sub3A_737, %dma_start3A_741, %dma_start3A_742] : memref<768x224x224xf32, #tpu.memory_space<hbm>> -> memref<1x224x224xf32, #tpu.memory_space<hbm>>
    tpu.enqueue_dma source(%arg7 : memref<1x224x224xf32, #tpu.memory_space<vmem>>) target(%dma_start3A_743 : memref<1x224x224xf32, #tpu.memory_space<hbm>>) target_semaphore(%arg11 : memref<!tpu.dma_semaphore, #tpu.memory_space<semaphore_mem>>)
    %slice3A_744 = vector.extract_strided_slice %add3A_43 {offsets = [7], sizes = [1], strides = [1]} : vector<16xi32> to vector<1xi32>
    %squeeze3A_745 = vector.extract %slice3A_744[0] : i32 from vector<1xi32>
    %dma_wait3A_746 = arith.constant 0 : i32
    %dma_wait3A_747 = arith.constant 0 : i32
    %dma_wait3A_748 = arith.constant 0 : i32
    %dma_wait3A_749 = tpu.memref_slice %arg4[%dma_wait3A_746, %dma_wait3A_747, %dma_wait3A_748] : memref<768x224x224xf32, #tpu.memory_space<hbm>> -> memref<1x224x224xf32, #tpu.memory_space<hbm>>
    %dma_wait3A_750 = arith.constant 0 : i32
    %dma_wait3A_751 = arith.constant 0 : i32
    %dma_wait3A_752 = arith.constant 0 : i32
    %dma_wait3A_753 = tpu.memref_slice %arg4[%dma_wait3A_750, %dma_wait3A_751, %dma_wait3A_752] : memref<768x224x224xf32, #tpu.memory_space<hbm>> -> memref<1x224x224xf32, #tpu.memory_space<hbm>>
    tpu.wait_dma2 semaphore(%arg11 : memref<!tpu.dma_semaphore, #tpu.memory_space<semaphore_mem>>) src(%arg7 : memref<1x224x224xf32, #tpu.memory_space<vmem>>) dst(%dma_wait3A_753 : memref<1x224x224xf32, #tpu.memory_space<hbm>>)
    %dma_start3A_754 = arith.constant 0 : i32
    %dma_start3A_755 = arith.constant 0 : i32
    %dma_start3A_756 = tpu.memref_slice %arg2[%squeeze3A_745, %dma_start3A_754, %dma_start3A_755] : memref<768x224x224xf32, #tpu.memory_space<hbm>> -> memref<1x224x224xf32, #tpu.memory_space<hbm>>
    %dma_start3A_757 = arith.constant 0 : i32
    %dma_start3A_758 = arith.constant 0 : i32
    %dma_start3A_759 = tpu.memref_slice %arg2[%squeeze3A_745, %dma_start3A_757, %dma_start3A_758] : memref<768x224x224xf32, #tpu.memory_space<hbm>> -> memref<1x224x224xf32, #tpu.memory_space<hbm>>
    tpu.enqueue_dma source(%dma_start3A_759 : memref<1x224x224xf32, #tpu.memory_space<hbm>>) target(%arg7 : memref<1x224x224xf32, #tpu.memory_space<vmem>>) target_semaphore(%arg9 : memref<!tpu.dma_semaphore, #tpu.memory_space<semaphore_mem>>)
    %dma_wait3A_760 = arith.constant 0 : i32
    %dma_wait3A_761 = arith.constant 0 : i32
    %dma_wait3A_762 = tpu.memref_slice %arg2[%squeeze3A_713, %dma_wait3A_760, %dma_wait3A_761] : memref<768x224x224xf32, #tpu.memory_space<hbm>> -> memref<1x224x224xf32, #tpu.memory_space<hbm>>
    %dma_wait3A_763 = arith.constant 0 : i32
    %dma_wait3A_764 = arith.constant 0 : i32
    %dma_wait3A_765 = tpu.memref_slice %arg2[%squeeze3A_713, %dma_wait3A_763, %dma_wait3A_764] : memref<768x224x224xf32, #tpu.memory_space<hbm>> -> memref<1x224x224xf32, #tpu.memory_space<hbm>>
    tpu.wait_dma2 semaphore(%arg8 : memref<!tpu.dma_semaphore, #tpu.memory_space<semaphore_mem>>) src(%dma_wait3A_765 : memref<1x224x224xf32, #tpu.memory_space<hbm>>) dst(%arg6 : memref<1x224x224xf32, #tpu.memory_space<vmem>>)
    %add3A_766 = arith.constant 23 : i32
    %add3A_767 = arith.addi %mul3A_2, %add3A_766 : i32
    %sub3A_768 = arith.constant 1 : i32
    %sub3A_769 = arith.subi %add3A_767, %sub3A_768 : i32
    %dma_start3A_770 = arith.constant 0 : i32
    %dma_start3A_771 = arith.constant 0 : i32
    %dma_start3A_772 = tpu.memref_slice %arg4[%sub3A_769, %dma_start3A_770, %dma_start3A_771] : memref<768x224x224xf32, #tpu.memory_space<hbm>> -> memref<1x224x224xf32, #tpu.memory_space<hbm>>
    %dma_start3A_773 = arith.constant 0 : i32
    %dma_start3A_774 = arith.constant 0 : i32
    %dma_start3A_775 = tpu.memref_slice %arg4[%sub3A_769, %dma_start3A_773, %dma_start3A_774] : memref<768x224x224xf32, #tpu.memory_space<hbm>> -> memref<1x224x224xf32, #tpu.memory_space<hbm>>
    tpu.enqueue_dma source(%arg6 : memref<1x224x224xf32, #tpu.memory_space<vmem>>) target(%dma_start3A_775 : memref<1x224x224xf32, #tpu.memory_space<hbm>>) target_semaphore(%arg10 : memref<!tpu.dma_semaphore, #tpu.memory_space<semaphore_mem>>)
    %dma_wait3A_776 = arith.constant 0 : i32
    %dma_wait3A_777 = arith.constant 0 : i32
    %dma_wait3A_778 = tpu.memref_slice %arg2[%squeeze3A_745, %dma_wait3A_776, %dma_wait3A_777] : memref<768x224x224xf32, #tpu.memory_space<hbm>> -> memref<1x224x224xf32, #tpu.memory_space<hbm>>
    %dma_wait3A_779 = arith.constant 0 : i32
    %dma_wait3A_780 = arith.constant 0 : i32
    %dma_wait3A_781 = tpu.memref_slice %arg2[%squeeze3A_745, %dma_wait3A_779, %dma_wait3A_780] : memref<768x224x224xf32, #tpu.memory_space<hbm>> -> memref<1x224x224xf32, #tpu.memory_space<hbm>>
    tpu.wait_dma2 semaphore(%arg9 : memref<!tpu.dma_semaphore, #tpu.memory_space<semaphore_mem>>) src(%dma_wait3A_781 : memref<1x224x224xf32, #tpu.memory_space<hbm>>) dst(%arg7 : memref<1x224x224xf32, #tpu.memory_space<vmem>>)
    %add3A_782 = arith.constant 24 : i32
    %add3A_783 = arith.addi %mul3A_2, %add3A_782 : i32
    %sub3A_784 = arith.constant 1 : i32
    %sub3A_785 = arith.subi %add3A_783, %sub3A_784 : i32
    %dma_start3A_786 = arith.constant 0 : i32
    %dma_start3A_787 = arith.constant 0 : i32
    %dma_start3A_788 = tpu.memref_slice %arg4[%sub3A_785, %dma_start3A_786, %dma_start3A_787] : memref<768x224x224xf32, #tpu.memory_space<hbm>> -> memref<1x224x224xf32, #tpu.memory_space<hbm>>
    %dma_start3A_789 = arith.constant 0 : i32
    %dma_start3A_790 = arith.constant 0 : i32
    %dma_start3A_791 = tpu.memref_slice %arg4[%sub3A_785, %dma_start3A_789, %dma_start3A_790] : memref<768x224x224xf32, #tpu.memory_space<hbm>> -> memref<1x224x224xf32, #tpu.memory_space<hbm>>
    tpu.enqueue_dma source(%arg7 : memref<1x224x224xf32, #tpu.memory_space<vmem>>) target(%dma_start3A_791 : memref<1x224x224xf32, #tpu.memory_space<hbm>>) target_semaphore(%arg11 : memref<!tpu.dma_semaphore, #tpu.memory_space<semaphore_mem>>)
    %dma_wait3A_792 = arith.constant 0 : i32
    %dma_wait3A_793 = arith.constant 0 : i32
    %dma_wait3A_794 = arith.constant 0 : i32
    %dma_wait3A_795 = tpu.memref_slice %arg4[%dma_wait3A_792, %dma_wait3A_793, %dma_wait3A_794] : memref<768x224x224xf32, #tpu.memory_space<hbm>> -> memref<1x224x224xf32, #tpu.memory_space<hbm>>
    %dma_wait3A_796 = arith.constant 0 : i32
    %dma_wait3A_797 = arith.constant 0 : i32
    %dma_wait3A_798 = arith.constant 0 : i32
    %dma_wait3A_799 = tpu.memref_slice %arg4[%dma_wait3A_796, %dma_wait3A_797, %dma_wait3A_798] : memref<768x224x224xf32, #tpu.memory_space<hbm>> -> memref<1x224x224xf32, #tpu.memory_space<hbm>>
    tpu.wait_dma2 semaphore(%arg10 : memref<!tpu.dma_semaphore, #tpu.memory_space<semaphore_mem>>) src(%arg6 : memref<1x224x224xf32, #tpu.memory_space<vmem>>) dst(%dma_wait3A_799 : memref<1x224x224xf32, #tpu.memory_space<hbm>>)
    %dma_wait3A_800 = arith.constant 0 : i32
    %dma_wait3A_801 = arith.constant 0 : i32
    %dma_wait3A_802 = arith.constant 0 : i32
    %dma_wait3A_803 = tpu.memref_slice %arg4[%dma_wait3A_800, %dma_wait3A_801, %dma_wait3A_802] : memref<768x224x224xf32, #tpu.memory_space<hbm>> -> memref<1x224x224xf32, #tpu.memory_space<hbm>>
    %dma_wait3A_804 = arith.constant 0 : i32
    %dma_wait3A_805 = arith.constant 0 : i32
    %dma_wait3A_806 = arith.constant 0 : i32
    %dma_wait3A_807 = tpu.memref_slice %arg4[%dma_wait3A_804, %dma_wait3A_805, %dma_wait3A_806] : memref<768x224x224xf32, #tpu.memory_space<hbm>> -> memref<1x224x224xf32, #tpu.memory_space<hbm>>
    tpu.wait_dma2 semaphore(%arg11 : memref<!tpu.dma_semaphore, #tpu.memory_space<semaphore_mem>>) src(%arg7 : memref<1x224x224xf32, #tpu.memory_space<vmem>>) dst(%dma_wait3A_807 : memref<1x224x224xf32, #tpu.memory_space<hbm>>)
    return
  }
}

</mosaic_0001>

<sc_bundles>
// kernel: kernel.3.cloned.1.call-start
scs
__scs_entry_jumppad:
0x0: {  	(pc) =	sbr.rel $0x88, $3  }
0x1: {  	(tag) =	ssettag $0x0;
	lr =	simm.s32 $0x1  }
0x2: {  	[smem:$0x3F9E] =	sst lr;
	_ =	strace $0xD0000000  }
0x3: {  	_ = 	snop  }
0x4: {  	_ = 	snop  }
0x5: {  	_ = 	snop  }
0x6: {  	_ = 	snop  }
0x7: {  	_ = 	snop  }
__scs_overlays_trampoline_lowered:
0x8: {  	[smem:$0x3FAD] =	sst s0  }
0x9: {  	[smem:$0x3FAE] =	sst s1  }
0xa: {  	[smem:$0x3FAF] =	sst s2  }
0xb: {  	[smem:$0x3FB0] =	sst s3  }
0xc: {  	[smem:$0x3FB1] =	sst s4  }
0xd: {  	[smem:$0x3FB2] =	sst s5  }
0xe: {  	[smem:$0x3FB3] =	sst s6  }
0xf: {  	[smem:$0x3FB4] =	sst s7  }
0x10: {  	[smem:$0x3FB5] =	sst s8  }
0x11: {  	[smem:$0x3FB6] =	sst s9;
	s0 =	simm.s32 @!p0 $0x0  }
0x12: {  	s1 =	sld [smem:$0x3F9C];
	s0 =	simm.s32 @p0 $0x1  }
0x13: {  	[smem:$0x3FB7] =	sst s0;
	s0 =	simm.s32 @!p1 $0x0  }
0x14: {  	s2 =	sld [smem:$0x3F9B];
	s0 =	simm.s32 @p1 $0x1  }
0x15: {  	[smem:$0x3FB8] =	sst s0;
	s0 =	simm.s32 @!p2 $0x0  }
0x16: {  	s3 =	sld [smem:$0x3FDB];
	s0 =	simm.s32 @p2 $0x1  }
0x17: {  	s4 =	simm.s32 $0x1BF5;
	[smem:$0x3FBA] =	sst s0  }
0x18: {  	s0 =	sld [smem:$0x3F9D];
	_ =	swait.ge [sflag:s4], $0x0  }
0x19: {  	s7 =	sld [smem:$0x3F9E]  }
0x1a: {  	s8 =	sadd.s32 $0xFFFFE003, lr  }
0x1b: {  	s9 =	sadd.s32 $0xFFFFFEF7, lr;
	s5 =	simm.s32 $0xFFFFFFFF;
	p2 =	slt.u32 s8, $0xFFFFF086  }
0x1c: {  	p1 =	slt.u32 s9, $0xF7A;
	s5 =	simm.s32 @!p2 $0x0  }
0x1d: {  	s5 =	simm.s32 @p1 $0x1;
	p0 =	seq.s32 s7, s2  }
0x1e: {  	s7 =	smul.u32 @!p0 $0xF7A, s2;
	p2 =	seq.s32 @!p0 s5, $0x0  }
0x1f: {  	s9 =	smul.u32 $0xF7A, s1;
	s8 =	simm.s32 @!p0 $0x1BF5;
	p2 =	por !p2, p0  }
0x20: {  	[sflag:s8] =	ssyncset.s32 @!p0 $0xFFFFF086;
	s6 =	sadd.s32 @!p0 s3, s7;
	s7 =	simm.s32 @!p0 $0x108  }
0x21: {  	s3 =	sadd.s32 s3, s9;
	s6 =	sadd.s32 @!p0 $0x88, s6;
	s7 =	simm.s32 @p2 $0x1082  }
0x22: {  	[simem:s7], [sflag:s8] =	dma.local @!p0 [hbm:s6], $0xF7A  }
0x23: {  	s9 =	sor.u32 $0xD0000000, s2;
	s6 =	simm.s32 $0x108;
	_ =	swait.ge @!p0 [sflag:s8], $0x0  }
0x24: {  	s3 =	sadd.s32 $0x88, s3;
	s6 =	simm.s32 @!p1 $0x1082;
	[sflag:s4] =	ssyncset.s32 $0xFFFFF086  }
0x25: {  	[simem:s6], [sflag:s4] =	dma.local [hbm:s3], $0xF7A  }
0x26: {  	[smem:$0x3F9E] =	sst s1;
	(tag) =	ssettag s2;
	_ =	strace s9  }
0x27: {  	s1 =	sld [smem:$0x3FAE]  }
0x28: {  	s2 =	sld [smem:$0x3FAF]  }
0x29: {  	s4 =	sld [smem:$0x3FB1]  }
0x2a: {  	p0 =	seq.s32 s5, $0x0;
	s5 =	sld [smem:$0x3FB2]  }
0x2b: {  	s6 =	sld [smem:$0x3FB3]  }
0x2c: {  	s7 =	sld [smem:$0x3FB4]  }
0x2d: {  	s3 =	simm.s32 $0x108;
	s8 =	sld [smem:$0x3FB5]  }
0x2e: {  	s3 =	simm.s32 @!p0 $0x1082;
	s9 =	sld [smem:$0x3FB6]  }
0x2f: {  	lr =	sadd.s32 s0, s3;
	s0 =	sld [smem:$0x3FAD]  }
0x30: {  	s3 =	sld [smem:$0x3FB0]  }
0x31: {  	[smem:$0x3FB9] =	sst s10  }
0x32: {  	s10 =	sld [smem:$0x3FB7];
	_ =	sdelay $0x3  }
0x33: {  	p0 =	seq.s32 s10, $0x1;
	s10 =	sld [smem:$0x3FB9];
	_ =	sdelay $0x3  }
0x34: {  	[smem:$0x3FB9] =	sst s10  }
0x35: {  	s10 =	sld [smem:$0x3FB8];
	_ =	sdelay $0x3  }
0x36: {  	p1 =	seq.s32 s10, $0x1;
	s10 =	sld [smem:$0x3FB9];
	_ =	sdelay $0x3  }
0x37: {  	[smem:$0x3FB9] =	sst s10  }
0x38: {  	s10 =	sld [smem:$0x3FBA]  }
0x39: {  	_ = 	snop;
	(pc) =	sbr.ind lr, $3  }
0x3a: {  	_ = 	snop  }
0x3b: {  	_ = 	snop  }
0x3c: {  	p2 =	seq.s32 s10, $0x1;
	s10 =	sld [smem:$0x3FB9]  }
0x3d: {  	_ =	shalt  }
0x3e: {  	_ =	shalt  }
0x3f: {  	_ =	shalt  }
0x40: {  	_ =	shalt  }
0x41: {  	_ =	shalt  }
0x42: {  	_ =	shalt  }
0x43: {  	_ =	shalt  }
0x44: {  	_ =	shalt  }
0x45: {  	_ =	shalt  }
0x46: {  	_ =	shalt  }
0x47: {  	_ =	shalt  }
0x48: {  	_ =	shalt  }
0x49: {  	_ =	shalt  }
0x4a: {  	_ =	shalt  }
0x4b: {  	_ =	shalt  }
0x4c: {  	_ =	shalt  }
0x4d: {  	_ =	shalt  }
0x4e: {  	_ =	shalt  }
0x4f: {  	_ =	shalt  }
0x50: {  	_ =	shalt  }
0x51: {  	_ =	shalt  }
0x52: {  	_ =	shalt  }
0x53: {  	_ =	shalt  }
0x54: {  	_ =	shalt  }
0x55: {  	_ =	shalt  }
0x56: {  	_ =	shalt  }
0x57: {  	_ =	shalt  }
0x58: {  	_ =	shalt  }
0x59: {  	_ =	shalt  }
0x5a: {  	_ =	shalt  }
0x5b: {  	_ =	shalt  }
0x5c: {  	_ =	shalt  }
0x5d: {  	_ =	shalt  }
0x5e: {  	_ =	shalt  }
0x5f: {  	_ =	shalt  }
0x60: {  	_ =	shalt  }
0x61: {  	_ =	shalt  }
0x62: {  	_ =	shalt  }
0x63: {  	_ =	shalt  }
0x64: {  	_ =	shalt  }
0x65: {  	_ =	shalt  }
0x66: {  	_ =	shalt  }
0x67: {  	_ =	shalt  }
0x68: {  	_ =	shalt  }
0x69: {  	_ =	shalt  }
0x6a: {  	_ =	shalt  }
0x6b: {  	_ =	shalt  }
0x6c: {  	_ =	shalt  }
0x6d: {  	_ =	shalt  }
0x6e: {  	_ =	shalt  }
0x6f: {  	_ =	shalt  }
0x70: {  	_ =	shalt  }
0x71: {  	_ =	shalt  }
0x72: {  	_ =	shalt  }
0x73: {  	_ =	shalt  }
0x74: {  	_ =	shalt  }
0x75: {  	_ =	shalt  }
0x76: {  	_ =	shalt  }
0x77: {  	_ =	shalt  }
0x78: {  	_ =	shalt  }
0x79: {  	_ =	shalt  }
0x7a: {  	_ =	shalt  }
0x7b: {  	_ =	shalt  }
0x7c: {  	_ =	shalt  }
0x7d: {  	_ =	shalt  }
0x7e: {  	_ =	shalt  }
0x7f: {  	_ =	shalt  }
0x80: {  	_ =	shalt  }
0x81: {  	_ =	shalt  }
0x82: {  	_ =	shalt  }
0x83: {  	_ =	shalt  }
0x84: {  	_ =	shalt  }
0x85: {  	_ =	shalt  }
0x86: {  	_ =	shalt  }
0x87: {  	_ =	shalt  }
.Lfunc_end0:
.L_simem_size_0:
called_computation_lowered:
.L_overlay_start_0:
0x88: {  	s2 =	sld [smem:$0x3FD9]  }
0x89: {  	s3 =	sld [smem:$0x3FFE];
	_ =	sdelay $0x1  }
0x8a: {  	s1 =	srdreg.scid  }
0x8b: {  	s0 =	sand.u32 $0x1, s1  }
0x8c: {  	s15 =	sshll.u32 s0, $0xA;
	s2 =	sadd.s32 s3, s2  }
0x8d: {  	s2 =	sadd.s32 s2, s15  }
0x8e: {  	[smem:$0x3FC5] =	sst s2  }
0x8f: {  	_ = 	snop  }
0x90: {  	s2 =	sld [smem:$0x3FD0];
	_ =	sdelay $0x1  }
0x91: {  	s16 =	sld [smem:$0x3FC9]  }
0x92: {  	s5 =	simm.s32 $0xA;
	s6 =	simm.s32 $0x10;
	s4 =	sld [smem:$0x3FC7]  }
0x93: {  	[smem:s6], [sflag:s5] =	dma.local [hbm:s2], $0x1  }
0x94: {  	_ =	swait.eq [sflag:s5], $0x1  }
0x95: {  	[sflag:s5] =	ssyncset.done $0x0  }
0x96: {  	[sflag:s5] =	ssyncadd.s32 $0xFFFFFFFF  }
0x97: {  	s17 =	sld [smem:$0x10];
	(tm) =	ssettm $0x1  }
0x98: {  	s18 =	sld [smem:$0x3FFB];
	_ =	sdelay $0x3  }
0x99: {  	_ =	strace s18  }
0x9a: {  	s5 =	sld [smem:$0x3FFC];
	_ =	sdelay $0x3  }
0x9b: {  	_ =	strace s5  }
0x9c: {  	s5 =	sld [smem:$0x3FFD];
	_ =	sdelay $0x3  }
0x9d: {  	_ =	strace s5  }
0x9e: {  	_ =	strace $0x8FFFFFFF  }
0x9f: {  	s19 =	sld [smem:$0x3FDB];
	_ =	sdelay $0x1  }
0xa0: {  	s20 =	simm.s32 $_scs_section_size  }
0xa1: {  	s7 =	simm.s32 $_size__tile_overlayer_lowered;
	s8 =	simm.s32 $_tile_overlayer_lowered  }
0xa2: {  	s23 =	simm.s32 $0x1BFF;
	s22 =	sshll.u32 s8, $0x1;
	s5 =	sadd.s32 s20, s19  }
0xa3: {  	s9 =	simm.s32 $0x0;
	s21 =	sshll.u32 s7, $0x1;
	s7 =	sadd.s32 s22, s5  }
0xa4: {  	[timem:s9], [sflag:s23] =	dma.local [hbm:s7], s21  }
0xa5: {  	_ =	swait.ge [sflag:s23], s21  }
0xa6: {  	s6 =	ssub.s32 $0x0, s21;
	[sflag:s23] =	ssyncset.done $0x0  }
0xa7: {  	[sflag:s23] =	ssyncadd.s32 s6;
	_ =	sdelay $0x1  }
0xa8: {  	s24 =	simm.s32 $0x1B8B  }
0xa9: {  	_ =	swait.ge [sflag:s24], $0x1  }
0xaa: {  	[sflag:s24] =	ssyncset.done $0x0  }
0xab: {  	s25 =	simm.s32 $0x1B8E;
	[sflag:s24] =	ssyncadd.s32 $0xFFFFFFFF  }
0xac: {  	s26 =	simm.s32 $execute0_lowered;
	[smem:$0x3FD2] =	sst s25  }
0xad: {  	s6 =	sshll.u32 s26, $0x1;
	_ =	strace $0x80000046;
	[dreg:$0x1] =	wrdreg $0xFFFFFFFF  }
0xae: {  	s28 =	simm.s32 $_size_execute0_lowered;
	s5 =	sadd.s32 s5, s6;
	[dreg:$0x0] =	wrdreg $0x0  }
0xaf: {  	s6 =	sshll.u32 s28, $0x1;
	[dreg:$0x2] =	wrdreg s5  }
0xb0: {  	[dreg:$0x3] =	wrdreg s6  }
0xb1: {  	[dreg:$0x4] =	wrdreg $0xC0  }
0xb2: {  	_ =	task [dreg:s9], $0x5FFFF  }
0xb3: {  	[dreg:$0x1] =	wrdreg $0xFFFFFFFF  }
0xb4: {  	[dreg:$0x0] =	wrdreg $0x60  }
0xb5: {  	[dreg:$0x2] =	wrdreg s16  }
0xb6: {  	[dreg:$0x3] =	wrdreg s4  }
0xb7: {  	[dreg:$0x4] =	wrdreg s17  }
0xb8: {  	[dreg:$0x5] =	wrdreg $0x9  }
0xb9: {  	_ =	task.clear_ibuf [dreg:s9], $0x6FFFF;
	_ =	strace $0x90000046  }
0xba: {  	s29 =	simm.s32 $0x9;
	_ =	strace $0x80000048  }
0xbb: {  	_ =	swait.ge [sflag:s29], $0x1  }
0xbc: {  	[sflag:s29] =	ssyncadd.s32 $0xFFFFFFFF  }
0xbd: {  	_ =	strace $0x90000048  }
0xbe: {  	_ =	sfence  }
0xbf: {  	s30 =	sld [smem:$0x0];
	_ =	sdelay $0x2  }
0xc0: {  	s31 =	sshll.u32 s1, $0xD;
	s1 =	sshrl.u32 s1, $0x2  }
0xc1: {  	s3 =	sand.u32 $0x4000, s31;
	s1 =	sadd.s32 s1, s30  }
0xc2: {  	s0 =	sor.u32 s3, s0;
	s1 =	sshll.u32 s1, $0x11  }
0xc3: {  	s0 =	sor.u32 s1, s0  }
0xc4: {  	s0 =	sadd.s32 $0x8F2B, s0  }
0xc5: {  	[sflag:s0] =	ssyncadd.remote.s32 $0x1  }
0xc6: {  	_ =	sfence.sel $0xFFFF  }
0xc7: {  	[dreg:$0x0] =	wrdreg $0xFFFFFFFF;
	(pc) =	sbr.abs _section_cstart, $3  }
0xc8: {  	[dreg:$0x1] =	wrdreg $0xFFFFFFFF  }
0xc9: {  	_ =	task.clear_ibuf [dreg:s9], $0x2FFFF;
	_ =	strace $0x9FFFFFFF  }
0xca: {  	(tm) =	ssettm $0x7FFFFFFF  }
0xcb: {  	_ =	shalt  }
tec
execute0_lowered:
.L_overlay_start_1:
0x0: {  	(tag) =	ssettag $0x1  }
0x1: {  	s1 =	srdreg.scid;
	s0 =	stileid.u32  }
0x2: {  	s9 =	rddreg [dreg:$0x0];
	s3 =	sand.u32 $0x1, s1;
	s30 =	sshll.u32 s0, $0x1  }
0x3: {  	s5 =	rddreg [dreg:$0x1];
	s4 =	sor.u32 s3, s30  }
0x4: {  	s6 =	rddreg [dreg:$0x2];
	s8 =	smul.u32 $0x2A000, s4  }
0x5: {  	s2 =	simm.s32 $0x0;
	s1 =	sand.u32 $0x7, s4;
	s4 =	smul.u32 $0x150000, s4  }
0x6: {  	[smem:$0x7FF] =	sst s2;
	s7 =	smul.u32 $0x3, s1  }
0x7: {  	s1 =	rddreg [dreg:$0x3];
	_ =	strace $0x80000047  }
0x8: {  	s10 =	sadd.s32 s6, s8;
	s4 =	sshrl.u32 s4, $0x3;
	s5 =	sadd.s32 s5, s7  }
0x9: {  	s31 =	sadd.s32 $0x1C00, s10;
	s4 =	sadd.s32 s6, s4;
	[dreg:$0x4] =	wrdreg s5  }
0xa: {  	[dreg:$0x5] =	wrdreg s31;
	s6 =	sadd.s32 $0x3800, s4  }
0xb: {  	s7 =	sadd.s32 $0x5400, s4;
	[dreg:$0x6] =	wrdreg s6  }
0xc: {  	s8 =	sadd.s32 $0x7000, s4;
	[dreg:$0x7] =	wrdreg s7  }
0xd: {  	s11 =	sadd.s32 $0x8C00, s4;
	[dreg:$0x8] =	wrdreg s8  }
0xe: {  	s12 =	sadd.s32 $0xA800, s4;
	[dreg:$0x9] =	wrdreg s11  }
0xf: {  	s13 =	sadd.s32 $0xC400, s4;
	[dreg:$0xa] =	wrdreg s12  }
0x10: {  	s14 =	sadd.s32 $0xE000, s4;
	[dreg:$0xb] =	wrdreg s13  }
0x11: {  	s15 =	sadd.s32 $0xFC00, s4;
	[dreg:$0xc] =	wrdreg s14  }
0x12: {  	s16 =	sadd.s32 $0x11800, s4;
	[dreg:$0xd] =	wrdreg s15  }
0x13: {  	s17 =	sadd.s32 $0x13400, s4;
	[dreg:$0xe] =	wrdreg s16  }
0x14: {  	s18 =	sadd.s32 $0x15000, s4;
	[dreg:$0xf] =	wrdreg s17  }
0x15: {  	s19 =	sadd.s32 $0x16C00, s4;
	[dreg:$0x10] =	wrdreg s18  }
0x16: {  	p0 =	por $0x0, $0x0;
	s20 =	sadd.s32 $0x18800, s4;
	[dreg:$0x11] =	wrdreg s19  }
0x17: {  	s3 =	ssub.s32 $0x2, s3;
	s21 =	sadd.s32 $0x1A400, s4;
	[dreg:$0x12] =	wrdreg s20  }
0x18: {  	s29 =	sshrl.u32 s3, $0x1;
	s22 =	sadd.s32 $0x1C000, s4;
	[dreg:$0x13] =	wrdreg s21  }
0x19: {  	s3 =	ssub.s32 s3, s29;
	s23 =	sadd.s32 $0x1DC00, s4;
	[dreg:$0x14] =	wrdreg s22  }
0x1a: {  	s24 =	sadd.s32 $0x1F800, s4;
	s25 =	sadd.s32 $0x21400, s4;
	[dreg:$0x15] =	wrdreg s23  }
0x1b: {  	s26 =	sadd.s32 $0x23000, s4;
	s28 =	sadd.s32 $0x24C00, s4;
	[dreg:$0x16] =	wrdreg s24  }
0x1c: {  	s30 =	sadd.s32 $0x26800, s4;
	[dreg:$0x17] =	wrdreg s25;
	s13 =	smax.u32 s3, $0x1  }
0x1d: {  	s31 =	sshrl.u32 s0, $0x2;
	[dreg:$0x18] =	wrdreg s26;
	p1 =	sne.s32 s13, $0x1  }
.Ltmp0:
0x1e: {  	s4 =	sadd.s32 $0x28400, s4;
	[dreg:$0x19] =	wrdreg s28;
	(pc) =	sbr.rel @!p1 .LBB2_3-.Ltmp0, $4  }
0x1f: {  	s5 =	simm.s32 $0xE080;
	[dreg:$0x1a] =	wrdreg s30;
	s12 =	smul.u32 $0xC0, s31  }
0x20: {  	[dreg:$0x1b] =	wrdreg s4;
	s11 =	simm.s32 $0x5;
	s6 =	simm.s32 $0x80  }
0x21: {  	s8 =	simm.s32 $0x1;
	s4 =	simm.s32 $0x3;
	s7 =	simm.s32 $0x2  }
0x22: {  	s3 =	simm.s32 $0x4;
	v0 =	vmov s12;
	s12 =	sadd.s32 $0xFFFFFFFF, s13;
	s13 =	rddreg [dreg:$0x4]  }
0x23: {  	[tilespmem:s2], [sflag:$0x5] =	stream.linear.gather [hbm4b:s13+s2], $0x18, $0x38;
	[tilespmem:$0x1C080] =	vst v63  }
0x24: {  	_ =	swait.ge [sflag:s11], $0x18  }
0x25: {  	[sflag:s11] =	ssyncset.done $0x0  }
0x26: {  	[sflag:s11] =	ssyncadd.s32 $0xFFFFFFE8  }
0x27: {  	v1 =	vld [tilespmem:$0x0];
	_ =	sdelay $0x4  }
0x28: {  	v1 =	vadd.s32 v0, v1  }
0x29: {  	v1 =	vmul.u32 $0xE000, v1;
	_ =	sdelay $0x1  }
0x2a: {  	v1 =	vshrl.u32 v1, $0x3  }
0x2b: {  	v1 =	vadd.s32 s9, v1  }
0x2c: {  	(v2sf) =	vpush v1, $0x0;
	_ =	sdelay $0x1  }
0x2d: {  	(v2sf) =	vpush v1, $0x1;
	_ =	sdelay $0x9  }
0x2e: {  	(v2sf) =	vpush v1, $0x2;
	_ =	sdelay $0x2  }
0x2f: {  	s18 =	spop (v2sf)  }
0x30: {  	v2 =	vld [tilespmem:$0x10];
	[tilespmem:s6], [sflag:$0x1] =	stream.linear.gather [hbm4b:s18+s2], $0xE000, $0x38  }
0x31: {  	s19 =	spop (v2sf)  }
0x32: {  	[tilespmem:s5], [sflag:$0x2] =	stream.linear.gather [hbm4b:s19+s2], $0xE000, $0x38;
	[tilespmem:$0x1C080] =	vst v63  }
0x33: {  	_ =	swait.ge [sflag:s8], $0xE000  }
0x34: {  	(v2sf) =	vpush v1, $0x3;
	_ =	sdelay $0x1  }
0x35: {  	[sflag:s8] =	ssyncset.done $0x0  }
0x36: {  	[sflag:s8] =	ssyncadd.s32 $0xFFFF2000  }
0x37: {  	[hbm4b:s10+s2] =	stream.linear.scatter [tilespmem:s6], [sflag:$0x3], $0xE000, $0x38;
	[tilespmem:$0x1C080] =	vst v63  }
0x38: {  	_ =	swait.ge [sflag:s4], $0xE000  }
0x39: {  	[sflag:s4] =	ssyncset.done $0x0  }
0x3a: {  	s20 =	spop (v2sf);
	[sflag:s4] =	ssyncadd.s32 $0xFFFF2000  }
0x3b: {  	[tilespmem:s6], [sflag:$0x1] =	stream.linear.gather [hbm4b:s20+s2], $0xE000, $0x38;
	[tilespmem:$0x1C080] =	vst v63  }
0x3c: {  	_ =	swait.ge [sflag:s7], $0xE000  }
0x3d: {  	(v2sf) =	vpush v1, $0x4;
	[sflag:s7] =	ssyncset.done $0x0  }
0x3e: {  	s21 =	rddreg [dreg:$0x5];
	[sflag:s7] =	ssyncadd.s32 $0xFFFF2000  }
0x3f: {  	[hbm4b:s21+s2] =	stream.linear.scatter [tilespmem:s5], [sflag:$0x4], $0xE000, $0x38;
	[tilespmem:$0x1C080] =	vst v63  }
0x40: {  	_ =	swait.ge [sflag:s3], $0xE000  }
0x41: {  	[sflag:s3] =	ssyncset.done $0x0  }
0x42: {  	[sflag:s3] =	ssyncadd.s32 $0xFFFF2000;
	s22 =	spop (v2sf)  }
0x43: {  	[tilespmem:s5], [sflag:$0x2] =	stream.linear.gather [hbm4b:s22+s2], $0xE000, $0x38;
	[tilespmem:$0x1C080] =	vst v63  }
0x44: {  	_ =	swait.ge [sflag:s8], $0xE000  }
0x45: {  	(v2sf) =	vpush v1, $0x5;
	_ =	sdelay $0x1  }
0x46: {  	[sflag:s8] =	ssyncset.done $0x0  }
0x47: {  	s23 =	rddreg [dreg:$0x6];
	[sflag:s8] =	ssyncadd.s32 $0xFFFF2000  }
0x48: {  	[hbm4b:s23+s2] =	stream.linear.scatter [tilespmem:s6], [sflag:$0x3], $0xE000, $0x38;
	[tilespmem:$0x1C080] =	vst v63  }
0x49: {  	_ =	swait.ge [sflag:s4], $0xE000  }
0x4a: {  	[sflag:s4] =	ssyncset.done $0x0  }
0x4b: {  	[sflag:s4] =	ssyncadd.s32 $0xFFFF2000;
	s24 =	spop (v2sf)  }
0x4c: {  	[tilespmem:s6], [sflag:$0x1] =	stream.linear.gather [hbm4b:s24+s2], $0xE000, $0x38;
	[tilespmem:$0x1C080] =	vst v63  }
0x4d: {  	_ =	swait.ge [sflag:s7], $0xE000  }
0x4e: {  	(v2sf) =	vpush v1, $0x6;
	[sflag:s7] =	ssyncset.done $0x0  }
0x4f: {  	s25 =	rddreg [dreg:$0x7];
	[sflag:s7] =	ssyncadd.s32 $0xFFFF2000  }
0x50: {  	[hbm4b:s25+s2] =	stream.linear.scatter [tilespmem:s5], [sflag:$0x4], $0xE000, $0x38;
	[tilespmem:$0x1C080] =	vst v63  }
0x51: {  	_ =	swait.ge [sflag:s3], $0xE000  }
0x52: {  	[sflag:s3] =	ssyncset.done $0x0  }
0x53: {  	[sflag:s3] =	ssyncadd.s32 $0xFFFF2000;
	s26 =	spop (v2sf)  }
0x54: {  	[tilespmem:s5], [sflag:$0x2] =	stream.linear.gather [hbm4b:s26+s2], $0xE000, $0x38;
	[tilespmem:$0x1C080] =	vst v63  }
0x55: {  	_ =	swait.ge [sflag:s8], $0xE000  }
0x56: {  	(v2sf) =	vpush v1, $0x7;
	_ =	sdelay $0x1  }
0x57: {  	[sflag:s8] =	ssyncset.done $0x0  }
0x58: {  	s28 =	rddreg [dreg:$0x8];
	[sflag:s8] =	ssyncadd.s32 $0xFFFF2000  }
0x59: {  	[hbm4b:s28+s2] =	stream.linear.scatter [tilespmem:s6], [sflag:$0x3], $0xE000, $0x38;
	[tilespmem:$0x1C080] =	vst v63  }
0x5a: {  	_ =	swait.ge [sflag:s4], $0xE000  }
0x5b: {  	[sflag:s4] =	ssyncset.done $0x0  }
0x5c: {  	[sflag:s4] =	ssyncadd.s32 $0xFFFF2000;
	s29 =	spop (v2sf)  }
0x5d: {  	[tilespmem:s6], [sflag:$0x1] =	stream.linear.gather [hbm4b:s29+s2], $0xE000, $0x38;
	[tilespmem:$0x1C080] =	vst v63  }
0x5e: {  	_ =	swait.ge [sflag:s7], $0xE000  }
0x5f: {  	(v2sf) =	vpush v1, $0x8;
	[sflag:s7] =	ssyncset.done $0x0  }
0x60: {  	s30 =	rddreg [dreg:$0x9];
	[sflag:s7] =	ssyncadd.s32 $0xFFFF2000  }
0x61: {  	[hbm4b:s30+s2] =	stream.linear.scatter [tilespmem:s5], [sflag:$0x4], $0xE000, $0x38;
	[tilespmem:$0x1C080] =	vst v63  }
0x62: {  	_ =	swait.ge [sflag:s3], $0xE000  }
0x63: {  	[sflag:s3] =	ssyncset.done $0x0  }
0x64: {  	[sflag:s3] =	ssyncadd.s32 $0xFFFF2000;
	s31 =	spop (v2sf)  }
0x65: {  	[tilespmem:s5], [sflag:$0x2] =	stream.linear.gather [hbm4b:s31+s2], $0xE000, $0x38;
	[tilespmem:$0x1C080] =	vst v63  }
0x66: {  	_ =	swait.ge [sflag:s8], $0xE000  }
0x67: {  	(v2sf) =	vpush v1, $0x9;
	_ =	sdelay $0x1  }
0x68: {  	[sflag:s8] =	ssyncset.done $0x0  }
0x69: {  	s14 =	rddreg [dreg:$0xa];
	[sflag:s8] =	ssyncadd.s32 $0xFFFF2000  }
0x6a: {  	[hbm4b:s14+s2] =	stream.linear.scatter [tilespmem:s6], [sflag:$0x3], $0xE000, $0x38;
	[tilespmem:$0x1C080] =	vst v63  }
0x6b: {  	_ =	swait.ge [sflag:s4], $0xE000  }
0x6c: {  	[sflag:s4] =	ssyncset.done $0x0  }
0x6d: {  	[sflag:s4] =	ssyncadd.s32 $0xFFFF2000;
	s15 =	spop (v2sf)  }
0x6e: {  	[tilespmem:s6], [sflag:$0x1] =	stream.linear.gather [hbm4b:s15+s2], $0xE000, $0x38;
	[tilespmem:$0x1C080] =	vst v63  }
0x6f: {  	_ =	swait.ge [sflag:s7], $0xE000  }
0x70: {  	(v2sf) =	vpush v1, $0xA;
	[sflag:s7] =	ssyncset.done $0x0  }
0x71: {  	s16 =	rddreg [dreg:$0xb];
	[sflag:s7] =	ssyncadd.s32 $0xFFFF2000  }
0x72: {  	[hbm4b:s16+s2] =	stream.linear.scatter [tilespmem:s5], [sflag:$0x4], $0xE000, $0x38;
	[tilespmem:$0x1C080] =	vst v63  }
0x73: {  	_ =	swait.ge [sflag:s3], $0xE000  }
0x74: {  	[sflag:s3] =	ssyncset.done $0x0  }
0x75: {  	[sflag:s3] =	ssyncadd.s32 $0xFFFF2000;
	s17 =	spop (v2sf)  }
0x76: {  	[tilespmem:s5], [sflag:$0x2] =	stream.linear.gather [hbm4b:s17+s2], $0xE000, $0x38;
	[tilespmem:$0x1C080] =	vst v63  }
0x77: {  	_ =	swait.ge [sflag:s8], $0xE000  }
0x78: {  	(v2sf) =	vpush v1, $0xB;
	_ =	sdelay $0x1  }
0x79: {  	[sflag:s8] =	ssyncset.done $0x0  }
0x7a: {  	s18 =	rddreg [dreg:$0xc];
	[sflag:s8] =	ssyncadd.s32 $0xFFFF2000  }
0x7b: {  	[hbm4b:s18+s2] =	stream.linear.scatter [tilespmem:s6], [sflag:$0x3], $0xE000, $0x38;
	[tilespmem:$0x1C080] =	vst v63  }
0x7c: {  	_ =	swait.ge [sflag:s4], $0xE000  }
0x7d: {  	[sflag:s4] =	ssyncset.done $0x0  }
0x7e: {  	[sflag:s4] =	ssyncadd.s32 $0xFFFF2000;
	s19 =	spop (v2sf)  }
0x7f: {  	[tilespmem:s6], [sflag:$0x1] =	stream.linear.gather [hbm4b:s19+s2], $0xE000, $0x38;
	[tilespmem:$0x1C080] =	vst v63  }
0x80: {  	_ =	swait.ge [sflag:s7], $0xE000  }
0x81: {  	(v2sf) =	vpush v1, $0xC;
	[sflag:s7] =	ssyncset.done $0x0  }
0x82: {  	s20 =	rddreg [dreg:$0xd];
	[sflag:s7] =	ssyncadd.s32 $0xFFFF2000  }
0x83: {  	[hbm4b:s20+s2] =	stream.linear.scatter [tilespmem:s5], [sflag:$0x4], $0xE000, $0x38;
	[tilespmem:$0x1C080] =	vst v63  }
0x84: {  	_ =	swait.ge [sflag:s3], $0xE000  }
0x85: {  	[sflag:s3] =	ssyncset.done $0x0  }
0x86: {  	[sflag:s3] =	ssyncadd.s32 $0xFFFF2000;
	s21 =	spop (v2sf)  }
0x87: {  	[tilespmem:s5], [sflag:$0x2] =	stream.linear.gather [hbm4b:s21+s2], $0xE000, $0x38;
	[tilespmem:$0x1C080] =	vst v63  }
0x88: {  	_ =	swait.ge [sflag:s8], $0xE000  }
0x89: {  	(v2sf) =	vpush v1, $0xD;
	_ =	sdelay $0x1  }
0x8a: {  	[sflag:s8] =	ssyncset.done $0x0  }
0x8b: {  	s22 =	rddreg [dreg:$0xe];
	[sflag:s8] =	ssyncadd.s32 $0xFFFF2000  }
0x8c: {  	[hbm4b:s22+s2] =	stream.linear.scatter [tilespmem:s6], [sflag:$0x3], $0xE000, $0x38;
	[tilespmem:$0x1C080] =	vst v63  }
0x8d: {  	_ =	swait.ge [sflag:s4], $0xE000  }
0x8e: {  	[sflag:s4] =	ssyncset.done $0x0  }
0x8f: {  	[sflag:s4] =	ssyncadd.s32 $0xFFFF2000;
	s23 =	spop (v2sf)  }
0x90: {  	[tilespmem:s6], [sflag:$0x1] =	stream.linear.gather [hbm4b:s23+s2], $0xE000, $0x38;
	[tilespmem:$0x1C080] =	vst v63  }
0x91: {  	_ =	swait.ge [sflag:s7], $0xE000  }
0x92: {  	(v2sf) =	vpush v1, $0xE;
	[sflag:s7] =	ssyncset.done $0x0  }
0x93: {  	s24 =	rddreg [dreg:$0xf];
	[sflag:s7] =	ssyncadd.s32 $0xFFFF2000  }
0x94: {  	[hbm4b:s24+s2] =	stream.linear.scatter [tilespmem:s5], [sflag:$0x4], $0xE000, $0x38;
	[tilespmem:$0x1C080] =	vst v63  }
0x95: {  	_ =	swait.ge [sflag:s3], $0xE000  }
0x96: {  	[sflag:s3] =	ssyncset.done $0x0  }
0x97: {  	[sflag:s3] =	ssyncadd.s32 $0xFFFF2000;
	s25 =	spop (v2sf)  }
0x98: {  	[tilespmem:s5], [sflag:$0x2] =	stream.linear.gather [hbm4b:s25+s2], $0xE000, $0x38;
	[tilespmem:$0x1C080] =	vst v63  }
0x99: {  	_ =	swait.ge [sflag:s8], $0xE000  }
0x9a: {  	(v2sf) =	vpush v1, $0xF;
	_ =	sdelay $0x1  }
0x9b: {  	[sflag:s8] =	ssyncset.done $0x0  }
0x9c: {  	s26 =	rddreg [dreg:$0x10];
	[sflag:s8] =	ssyncadd.s32 $0xFFFF2000  }
0x9d: {  	[hbm4b:s26+s2] =	stream.linear.scatter [tilespmem:s6], [sflag:$0x3], $0xE000, $0x38;
	[tilespmem:$0x1C080] =	vst v63  }
0x9e: {  	v1 =	vadd.s32 v0, v2;
	_ =	swait.ge [sflag:s4], $0xE000  }
0x9f: {  	v1 =	vmul.u32 $0xE000, v1;
	[sflag:s4] =	ssyncset.done $0x0  }
0xa0: {  	[sflag:s4] =	ssyncadd.s32 $0xFFFF2000;
	s28 =	spop (v2sf)  }
0xa1: {  	v1 =	vshrl.u32 v1, $0x3;
	[tilespmem:s6], [sflag:$0x1] =	stream.linear.gather [hbm4b:s28+s2], $0xE000, $0x38;
	[tilespmem:$0x1C080] =	vst v63  }
0xa2: {  	v1 =	vadd.s32 s9, v1;
	_ =	swait.ge [sflag:s7], $0xE000  }
0xa3: {  	(v2sf) =	vpush v1, $0x0;
	[sflag:s7] =	ssyncset.done $0x0  }
0xa4: {  	s29 =	rddreg [dreg:$0x11];
	[sflag:s7] =	ssyncadd.s32 $0xFFFF2000  }
0xa5: {  	[hbm4b:s29+s2] =	stream.linear.scatter [tilespmem:s5], [sflag:$0x4], $0xE000, $0x38;
	[tilespmem:$0x1C080] =	vst v63  }
0xa6: {  	_ =	swait.ge [sflag:s3], $0xE000  }
0xa7: {  	[sflag:s3] =	ssyncset.done $0x0  }
0xa8: {  	[sflag:s3] =	ssyncadd.s32 $0xFFFF2000;
	s30 =	spop (v2sf)  }
0xa9: {  	[tilespmem:s5], [sflag:$0x2] =	stream.linear.gather [hbm4b:s30+s2], $0xE000, $0x38;
	[tilespmem:$0x1C080] =	vst v63  }
0xaa: {  	_ =	swait.ge [sflag:s8], $0xE000  }
0xab: {  	(v2sf) =	vpush v1, $0x1;
	_ =	sdelay $0x1  }
0xac: {  	[sflag:s8] =	ssyncset.done $0x0  }
0xad: {  	s31 =	rddreg [dreg:$0x12];
	[sflag:s8] =	ssyncadd.s32 $0xFFFF2000  }
0xae: {  	[hbm4b:s31+s2] =	stream.linear.scatter [tilespmem:s6], [sflag:$0x3], $0xE000, $0x38;
	[tilespmem:$0x1C080] =	vst v63  }
0xaf: {  	_ =	swait.ge [sflag:s4], $0xE000  }
0xb0: {  	[sflag:s4] =	ssyncset.done $0x0  }
0xb1: {  	[sflag:s4] =	ssyncadd.s32 $0xFFFF2000;
	s14 =	spop (v2sf)  }
0xb2: {  	[tilespmem:s6], [sflag:$0x1] =	stream.linear.gather [hbm4b:s14+s2], $0xE000, $0x38;
	[tilespmem:$0x1C080] =	vst v63  }
0xb3: {  	_ =	swait.ge [sflag:s7], $0xE000  }
0xb4: {  	(v2sf) =	vpush v1, $0x2;
	[sflag:s7] =	ssyncset.done $0x0  }
0xb5: {  	s15 =	rddreg [dreg:$0x13];
	[sflag:s7] =	ssyncadd.s32 $0xFFFF2000  }
0xb6: {  	[hbm4b:s15+s2] =	stream.linear.scatter [tilespmem:s5], [sflag:$0x4], $0xE000, $0x38;
	[tilespmem:$0x1C080] =	vst v63  }
0xb7: {  	_ =	swait.ge [sflag:s3], $0xE000  }
0xb8: {  	[sflag:s3] =	ssyncset.done $0x0  }
0xb9: {  	[sflag:s3] =	ssyncadd.s32 $0xFFFF2000;
	s16 =	spop (v2sf)  }
0xba: {  	[tilespmem:s5], [sflag:$0x2] =	stream.linear.gather [hbm4b:s16+s2], $0xE000, $0x38;
	[tilespmem:$0x1C080] =	vst v63  }
0xbb: {  	_ =	swait.ge [sflag:s8], $0xE000  }
0xbc: {  	(v2sf) =	vpush v1, $0x3;
	_ =	sdelay $0x1  }
0xbd: {  	[sflag:s8] =	ssyncset.done $0x0  }
0xbe: {  	s17 =	rddreg [dreg:$0x14];
	[sflag:s8] =	ssyncadd.s32 $0xFFFF2000  }
0xbf: {  	[hbm4b:s17+s2] =	stream.linear.scatter [tilespmem:s6], [sflag:$0x3], $0xE000, $0x38;
	[tilespmem:$0x1C080] =	vst v63  }
0xc0: {  	_ =	swait.ge [sflag:s4], $0xE000  }
0xc1: {  	[sflag:s4] =	ssyncset.done $0x0  }
0xc2: {  	[sflag:s4] =	ssyncadd.s32 $0xFFFF2000;
	s18 =	spop (v2sf)  }
0xc3: {  	[tilespmem:s6], [sflag:$0x1] =	stream.linear.gather [hbm4b:s18+s2], $0xE000, $0x38;
	[tilespmem:$0x1C080] =	vst v63  }
0xc4: {  	_ =	swait.ge [sflag:s7], $0xE000  }
0xc5: {  	(v2sf) =	vpush v1, $0x4;
	[sflag:s7] =	ssyncset.done $0x0  }
0xc6: {  	s19 =	rddreg [dreg:$0x15];
	[sflag:s7] =	ssyncadd.s32 $0xFFFF2000  }
0xc7: {  	[hbm4b:s19+s2] =	stream.linear.scatter [tilespmem:s5], [sflag:$0x4], $0xE000, $0x38;
	[tilespmem:$0x1C080] =	vst v63  }
0xc8: {  	_ =	swait.ge [sflag:s3], $0xE000  }
0xc9: {  	[sflag:s3] =	ssyncset.done $0x0  }
0xca: {  	[sflag:s3] =	ssyncadd.s32 $0xFFFF2000;
	s20 =	spop (v2sf)  }
0xcb: {  	[tilespmem:s5], [sflag:$0x2] =	stream.linear.gather [hbm4b:s20+s2], $0xE000, $0x38;
	[tilespmem:$0x1C080] =	vst v63  }
0xcc: {  	_ =	swait.ge [sflag:s8], $0xE000  }
0xcd: {  	(v2sf) =	vpush v1, $0x5;
	_ =	sdelay $0x1  }
0xce: {  	[sflag:s8] =	ssyncset.done $0x0  }
0xcf: {  	s21 =	rddreg [dreg:$0x16];
	[sflag:s8] =	ssyncadd.s32 $0xFFFF2000  }
0xd0: {  	[hbm4b:s21+s2] =	stream.linear.scatter [tilespmem:s6], [sflag:$0x3], $0xE000, $0x38;
	[tilespmem:$0x1C080] =	vst v63  }
0xd1: {  	_ =	swait.ge [sflag:s4], $0xE000  }
0xd2: {  	[sflag:s4] =	ssyncset.done $0x0  }
0xd3: {  	[sflag:s4] =	ssyncadd.s32 $0xFFFF2000;
	s22 =	spop (v2sf)  }
0xd4: {  	[tilespmem:s6], [sflag:$0x1] =	stream.linear.gather [hbm4b:s22+s2], $0xE000, $0x38;
	[tilespmem:$0x1C080] =	vst v63  }
0xd5: {  	_ =	swait.ge [sflag:s7], $0xE000  }
0xd6: {  	(v2sf) =	vpush v1, $0x6;
	[sflag:s7] =	ssyncset.done $0x0  }
0xd7: {  	s23 =	rddreg [dreg:$0x17];
	[sflag:s7] =	ssyncadd.s32 $0xFFFF2000  }
0xd8: {  	[hbm4b:s23+s2] =	stream.linear.scatter [tilespmem:s5], [sflag:$0x4], $0xE000, $0x38;
	[tilespmem:$0x1C080] =	vst v63  }
0xd9: {  	_ =	swait.ge [sflag:s3], $0xE000  }
0xda: {  	[sflag:s3] =	ssyncset.done $0x0  }
0xdb: {  	[sflag:s3] =	ssyncadd.s32 $0xFFFF2000;
	s24 =	spop (v2sf)  }
0xdc: {  	[tilespmem:s5], [sflag:$0x2] =	stream.linear.gather [hbm4b:s24+s2], $0xE000, $0x38;
	[tilespmem:$0x1C080] =	vst v63  }
0xdd: {  	_ =	swait.ge [sflag:s8], $0xE000  }
0xde: {  	(v2sf) =	vpush v1, $0x7;
	_ =	sdelay $0x1  }
0xdf: {  	[sflag:s8] =	ssyncset.done $0x0  }
0xe0: {  	s25 =	rddreg [dreg:$0x18];
	[sflag:s8] =	ssyncadd.s32 $0xFFFF2000  }
0xe1: {  	[hbm4b:s25+s2] =	stream.linear.scatter [tilespmem:s6], [sflag:$0x3], $0xE000, $0x38;
	[tilespmem:$0x1C080] =	vst v63  }
0xe2: {  	_ =	swait.ge [sflag:s4], $0xE000  }
0xe3: {  	[sflag:s4] =	ssyncset.done $0x0  }
0xe4: {  	[sflag:s4] =	ssyncadd.s32 $0xFFFF2000;
	s26 =	spop (v2sf)  }
0xe5: {  	[tilespmem:s6], [sflag:$0x1] =	stream.linear.gather [hbm4b:s26+s2], $0xE000, $0x38;
	[tilespmem:$0x1C080] =	vst v63  }
0xe6: {  	_ =	swait.ge [sflag:s7], $0xE000  }
0xe7: {  	[sflag:s7] =	ssyncset.done $0x0  }
0xe8: {  	s28 =	rddreg [dreg:$0x19];
	[sflag:s7] =	ssyncadd.s32 $0xFFFF2000  }
0xe9: {  	[hbm4b:s28+s2] =	stream.linear.scatter [tilespmem:s5], [sflag:$0x4], $0xE000, $0x38;
	[tilespmem:$0x1C080] =	vst v63  }
0xea: {  	_ =	swait.ge [sflag:s3], $0xE000  }
0xeb: {  	[sflag:s3] =	ssyncset.done $0x0  }
0xec: {  	[sflag:s3] =	ssyncadd.s32 $0xFFFF2000;
	s29 =	spop (v2sf)  }
0xed: {  	[tilespmem:s5], [sflag:$0x2] =	stream.linear.gather [hbm4b:s29+s2], $0xE000, $0x38;
	[tilespmem:$0x1C080] =	vst v63  }
0xee: {  	_ =	swait.ge [sflag:s8], $0xE000  }
0xef: {  	[sflag:s8] =	ssyncset.done $0x0  }
0xf0: {  	s30 =	rddreg [dreg:$0x1a];
	[sflag:s8] =	ssyncadd.s32 $0xFFFF2000  }
0xf1: {  	[hbm4b:s30+s2] =	stream.linear.scatter [tilespmem:s6], [sflag:$0x3], $0xE000, $0x38;
	[tilespmem:$0x1C080] =	vst v63  }
0xf2: {  	_ =	swait.ge [sflag:s7], $0xE000  }
0xf3: {  	[sflag:s7] =	ssyncset.done $0x0  }
0xf4: {  	p1 =	sne.s32 s12, $0x1;
	s31 =	rddreg [dreg:$0x1b];
	[sflag:s7] =	ssyncadd.s32 $0xFFFF2000  }
0xf5: {  	[hbm4b:s31+s2] =	stream.linear.scatter [tilespmem:s5], [sflag:$0x4], $0xE000, $0x38;
	[tilespmem:$0x1C080] =	vst v63  }
.Ltmp1:
0xf6: {  	_ =	swait.ge [sflag:s4], $0xE000;
	(pc) =	sbr.rel @!p1 .LBB2_3-.Ltmp1, $4  }
0xf7: {  	[sflag:s4] =	ssyncset.done $0x0  }
0xf8: {  	[sflag:s4] =	ssyncadd.s32 $0xFFFF2000  }
0xf9: {  	s12 =	sadd.s32 $0xFFFFFFFF, s12;
	_ =	swait.ge [sflag:s3], $0xE000  }
0xfa: {  	p0 =	por $0x1, $0x1;
	s13 =	rddreg [dreg:$0x4];
	[sflag:s3] =	ssyncset.done $0x0  }
.LBB2_2:
0xfb: {  	[sflag:s3] =	ssyncadd.s32 $0xFFFF2000  }
0xfc: {  	[tilespmem:s2], [sflag:$0x5] =	stream.linear.gather [hbm4b:s13+s2], $0x18, $0x38;
	[tilespmem:$0x1C080] =	vst v63  }
0xfd: {  	_ =	swait.ge [sflag:s11], $0x18  }
0xfe: {  	[sflag:s11] =	ssyncset.done $0x0  }
0xff: {  	[sflag:s11] =	ssyncadd.s32 $0xFFFFFFE8  }
0x100: {  	v1 =	vld [tilespmem:$0x0];
	_ =	sdelay $0x4  }
0x101: {  	v1 =	vadd.s32 v0, v1  }
0x102: {  	v1 =	vmul.u32 $0xE000, v1;
	_ =	sdelay $0x1  }
0x103: {  	v1 =	vshrl.u32 v1, $0x3  }
0x104: {  	v2 =	vadd.s32 s9, v1  }
0x105: {  	(v2sf) =	vpush v2, $0x0;
	_ =	sdelay $0x1  }
0x106: {  	(v2sf) =	vpush v2, $0x1;
	_ =	sdelay $0x9  }
0x107: {  	(v2sf) =	vpush v2, $0x2;
	_ =	sdelay $0x2  }
0x108: {  	s18 =	spop (v2sf)  }
0x109: {  	v1 =	vld [tilespmem:$0x10];
	[tilespmem:s6], [sflag:$0x1] =	stream.linear.gather [hbm4b:s18+s2], $0xE000, $0x38  }
0x10a: {  	s19 =	spop (v2sf)  }
0x10b: {  	[tilespmem:s5], [sflag:$0x2] =	stream.linear.gather [hbm4b:s19+s2], $0xE000, $0x38;
	[tilespmem:$0x1C080] =	vst v63  }
0x10c: {  	_ =	swait.ge [sflag:s8], $0xE000  }
0x10d: {  	(v2sf) =	vpush v2, $0x3;
	_ =	sdelay $0x1  }
0x10e: {  	[sflag:s8] =	ssyncset.done $0x0  }
0x10f: {  	[sflag:s8] =	ssyncadd.s32 $0xFFFF2000  }
0x110: {  	[hbm4b:s10+s2] =	stream.linear.scatter [tilespmem:s6], [sflag:$0x3], $0xE000, $0x38;
	[tilespmem:$0x1C080] =	vst v63  }
0x111: {  	_ =	swait.ge [sflag:s4], $0xE000  }
0x112: {  	[sflag:s4] =	ssyncset.done $0x0  }
0x113: {  	s20 =	spop (v2sf);
	[sflag:s4] =	ssyncadd.s32 $0xFFFF2000  }
0x114: {  	[tilespmem:s6], [sflag:$0x1] =	stream.linear.gather [hbm4b:s20+s2], $0xE000, $0x38;
	[tilespmem:$0x1C080] =	vst v63  }
0x115: {  	_ =	swait.ge [sflag:s7], $0xE000  }
0x116: {  	(v2sf) =	vpush v2, $0x4;
	[sflag:s7] =	ssyncset.done $0x0  }
0x117: {  	s21 =	rddreg [dreg:$0x5];
	[sflag:s7] =	ssyncadd.s32 $0xFFFF2000  }
0x118: {  	[hbm4b:s21+s2] =	stream.linear.scatter [tilespmem:s5], [sflag:$0x4], $0xE000, $0x38;
	[tilespmem:$0x1C080] =	vst v63  }
0x119: {  	_ =	swait.ge [sflag:s3], $0xE000  }
0x11a: {  	[sflag:s3] =	ssyncset.done $0x0  }
0x11b: {  	[sflag:s3] =	ssyncadd.s32 $0xFFFF2000;
	s22 =	spop (v2sf)  }
0x11c: {  	[tilespmem:s5], [sflag:$0x2] =	stream.linear.gather [hbm4b:s22+s2], $0xE000, $0x38;
	[tilespmem:$0x1C080] =	vst v63  }
0x11d: {  	_ =	swait.ge [sflag:s8], $0xE000  }
0x11e: {  	(v2sf) =	vpush v2, $0x5;
	_ =	sdelay $0x1  }
0x11f: {  	[sflag:s8] =	ssyncset.done $0x0  }
0x120: {  	s23 =	rddreg [dreg:$0x6];
	[sflag:s8] =	ssyncadd.s32 $0xFFFF2000  }
0x121: {  	[hbm4b:s23+s2] =	stream.linear.scatter [tilespmem:s6], [sflag:$0x3], $0xE000, $0x38;
	[tilespmem:$0x1C080] =	vst v63  }
0x122: {  	_ =	swait.ge [sflag:s4], $0xE000  }
0x123: {  	[sflag:s4] =	ssyncset.done $0x0  }
0x124: {  	[sflag:s4] =	ssyncadd.s32 $0xFFFF2000;
	s24 =	spop (v2sf)  }
0x125: {  	[tilespmem:s6], [sflag:$0x1] =	stream.linear.gather [hbm4b:s24+s2], $0xE000, $0x38;
	[tilespmem:$0x1C080] =	vst v63  }
0x126: {  	_ =	swait.ge [sflag:s7], $0xE000  }
0x127: {  	(v2sf) =	vpush v2, $0x6;
	[sflag:s7] =	ssyncset.done $0x0  }
0x128: {  	s25 =	rddreg [dreg:$0x7];
	[sflag:s7] =	ssyncadd.s32 $0xFFFF2000  }
0x129: {  	[hbm4b:s25+s2] =	stream.linear.scatter [tilespmem:s5], [sflag:$0x4], $0xE000, $0x38;
	[tilespmem:$0x1C080] =	vst v63  }
0x12a: {  	_ =	swait.ge [sflag:s3], $0xE000  }
0x12b: {  	[sflag:s3] =	ssyncset.done $0x0  }
0x12c: {  	[sflag:s3] =	ssyncadd.s32 $0xFFFF2000;
	s26 =	spop (v2sf)  }
0x12d: {  	[tilespmem:s5], [sflag:$0x2] =	stream.linear.gather [hbm4b:s26+s2], $0xE000, $0x38;
	[tilespmem:$0x1C080] =	vst v63  }
0x12e: {  	_ =	swait.ge [sflag:s8], $0xE000  }
0x12f: {  	(v2sf) =	vpush v2, $0x7;
	_ =	sdelay $0x1  }
0x130: {  	[sflag:s8] =	ssyncset.done $0x0  }
0x131: {  	s28 =	rddreg [dreg:$0x8];
	[sflag:s8] =	ssyncadd.s32 $0xFFFF2000  }
0x132: {  	[hbm4b:s28+s2] =	stream.linear.scatter [tilespmem:s6], [sflag:$0x3], $0xE000, $0x38;
	[tilespmem:$0x1C080] =	vst v63  }
0x133: {  	_ =	swait.ge [sflag:s4], $0xE000  }
0x134: {  	[sflag:s4] =	ssyncset.done $0x0  }
0x135: {  	[sflag:s4] =	ssyncadd.s32 $0xFFFF2000;
	s29 =	spop (v2sf)  }
0x136: {  	[tilespmem:s6], [sflag:$0x1] =	stream.linear.gather [hbm4b:s29+s2], $0xE000, $0x38;
	[tilespmem:$0x1C080] =	vst v63  }
0x137: {  	_ =	swait.ge [sflag:s7], $0xE000  }
0x138: {  	(v2sf) =	vpush v2, $0x8;
	[sflag:s7] =	ssyncset.done $0x0  }
0x139: {  	s30 =	rddreg [dreg:$0x9];
	[sflag:s7] =	ssyncadd.s32 $0xFFFF2000  }
0x13a: {  	[hbm4b:s30+s2] =	stream.linear.scatter [tilespmem:s5], [sflag:$0x4], $0xE000, $0x38;
	[tilespmem:$0x1C080] =	vst v63  }
0x13b: {  	_ =	swait.ge [sflag:s3], $0xE000  }
0x13c: {  	[sflag:s3] =	ssyncset.done $0x0  }
0x13d: {  	[sflag:s3] =	ssyncadd.s32 $0xFFFF2000;
	s31 =	spop (v2sf)  }
0x13e: {  	[tilespmem:s5], [sflag:$0x2] =	stream.linear.gather [hbm4b:s31+s2], $0xE000, $0x38;
	[tilespmem:$0x1C080] =	vst v63  }
0x13f: {  	_ =	swait.ge [sflag:s8], $0xE000  }
0x140: {  	(v2sf) =	vpush v2, $0x9;
	_ =	sdelay $0x1  }
0x141: {  	[sflag:s8] =	ssyncset.done $0x0  }
0x142: {  	s14 =	rddreg [dreg:$0xa];
	[sflag:s8] =	ssyncadd.s32 $0xFFFF2000  }
0x143: {  	[hbm4b:s14+s2] =	stream.linear.scatter [tilespmem:s6], [sflag:$0x3], $0xE000, $0x38;
	[tilespmem:$0x1C080] =	vst v63  }
0x144: {  	_ =	swait.ge [sflag:s4], $0xE000  }
0x145: {  	[sflag:s4] =	ssyncset.done $0x0  }
0x146: {  	[sflag:s4] =	ssyncadd.s32 $0xFFFF2000;
	s15 =	spop (v2sf)  }
0x147: {  	[tilespmem:s6], [sflag:$0x1] =	stream.linear.gather [hbm4b:s15+s2], $0xE000, $0x38;
	[tilespmem:$0x1C080] =	vst v63  }
0x148: {  	_ =	swait.ge [sflag:s7], $0xE000  }
0x149: {  	(v2sf) =	vpush v2, $0xA;
	[sflag:s7] =	ssyncset.done $0x0  }
0x14a: {  	s16 =	rddreg [dreg:$0xb];
	[sflag:s7] =	ssyncadd.s32 $0xFFFF2000  }
0x14b: {  	[hbm4b:s16+s2] =	stream.linear.scatter [tilespmem:s5], [sflag:$0x4], $0xE000, $0x38;
	[tilespmem:$0x1C080] =	vst v63  }
0x14c: {  	_ =	swait.ge [sflag:s3], $0xE000  }
0x14d: {  	[sflag:s3] =	ssyncset.done $0x0  }
0x14e: {  	[sflag:s3] =	ssyncadd.s32 $0xFFFF2000;
	s17 =	spop (v2sf)  }
0x14f: {  	[tilespmem:s5], [sflag:$0x2] =	stream.linear.gather [hbm4b:s17+s2], $0xE000, $0x38;
	[tilespmem:$0x1C080] =	vst v63  }
0x150: {  	_ =	swait.ge [sflag:s8], $0xE000  }
0x151: {  	(v2sf) =	vpush v2, $0xB;
	_ =	sdelay $0x1  }
0x152: {  	[sflag:s8] =	ssyncset.done $0x0  }
0x153: {  	s18 =	rddreg [dreg:$0xc];
	[sflag:s8] =	ssyncadd.s32 $0xFFFF2000  }
0x154: {  	[hbm4b:s18+s2] =	stream.linear.scatter [tilespmem:s6], [sflag:$0x3], $0xE000, $0x38;
	[tilespmem:$0x1C080] =	vst v63  }
0x155: {  	_ =	swait.ge [sflag:s4], $0xE000  }
0x156: {  	[sflag:s4] =	ssyncset.done $0x0  }
0x157: {  	[sflag:s4] =	ssyncadd.s32 $0xFFFF2000;
	s19 =	spop (v2sf)  }
0x158: {  	[tilespmem:s6], [sflag:$0x1] =	stream.linear.gather [hbm4b:s19+s2], $0xE000, $0x38;
	[tilespmem:$0x1C080] =	vst v63  }
0x159: {  	_ =	swait.ge [sflag:s7], $0xE000  }
0x15a: {  	(v2sf) =	vpush v2, $0xC;
	[sflag:s7] =	ssyncset.done $0x0  }
0x15b: {  	s20 =	rddreg [dreg:$0xd];
	[sflag:s7] =	ssyncadd.s32 $0xFFFF2000  }
0x15c: {  	[hbm4b:s20+s2] =	stream.linear.scatter [tilespmem:s5], [sflag:$0x4], $0xE000, $0x38;
	[tilespmem:$0x1C080] =	vst v63  }
0x15d: {  	_ =	swait.ge [sflag:s3], $0xE000  }
0x15e: {  	[sflag:s3] =	ssyncset.done $0x0  }
0x15f: {  	[sflag:s3] =	ssyncadd.s32 $0xFFFF2000;
	s21 =	spop (v2sf)  }
0x160: {  	[tilespmem:s5], [sflag:$0x2] =	stream.linear.gather [hbm4b:s21+s2], $0xE000, $0x38;
	[tilespmem:$0x1C080] =	vst v63  }
0x161: {  	_ =	swait.ge [sflag:s8], $0xE000  }
0x162: {  	(v2sf) =	vpush v2, $0xD;
	_ =	sdelay $0x1  }
0x163: {  	[sflag:s8] =	ssyncset.done $0x0  }
0x164: {  	s22 =	rddreg [dreg:$0xe];
	[sflag:s8] =	ssyncadd.s32 $0xFFFF2000  }
0x165: {  	[hbm4b:s22+s2] =	stream.linear.scatter [tilespmem:s6], [sflag:$0x3], $0xE000, $0x38;
	[tilespmem:$0x1C080] =	vst v63  }
0x166: {  	_ =	swait.ge [sflag:s4], $0xE000  }
0x167: {  	[sflag:s4] =	ssyncset.done $0x0  }
0x168: {  	[sflag:s4] =	ssyncadd.s32 $0xFFFF2000;
	s23 =	spop (v2sf)  }
0x169: {  	[tilespmem:s6], [sflag:$0x1] =	stream.linear.gather [hbm4b:s23+s2], $0xE000, $0x38;
	[tilespmem:$0x1C080] =	vst v63  }
0x16a: {  	_ =	swait.ge [sflag:s7], $0xE000  }
0x16b: {  	(v2sf) =	vpush v2, $0xE;
	[sflag:s7] =	ssyncset.done $0x0  }
0x16c: {  	s24 =	rddreg [dreg:$0xf];
	[sflag:s7] =	ssyncadd.s32 $0xFFFF2000  }
0x16d: {  	[hbm4b:s24+s2] =	stream.linear.scatter [tilespmem:s5], [sflag:$0x4], $0xE000, $0x38;
	[tilespmem:$0x1C080] =	vst v63  }
0x16e: {  	_ =	swait.ge [sflag:s3], $0xE000  }
0x16f: {  	[sflag:s3] =	ssyncset.done $0x0  }
0x170: {  	[sflag:s3] =	ssyncadd.s32 $0xFFFF2000;
	s25 =	spop (v2sf)  }
0x171: {  	[tilespmem:s5], [sflag:$0x2] =	stream.linear.gather [hbm4b:s25+s2], $0xE000, $0x38;
	[tilespmem:$0x1C080] =	vst v63  }
0x172: {  	_ =	swait.ge [sflag:s8], $0xE000  }
0x173: {  	(v2sf) =	vpush v2, $0xF;
	_ =	sdelay $0x1  }
0x174: {  	[sflag:s8] =	ssyncset.done $0x0  }
0x175: {  	s26 =	rddreg [dreg:$0x10];
	[sflag:s8] =	ssyncadd.s32 $0xFFFF2000  }
0x176: {  	[hbm4b:s26+s2] =	stream.linear.scatter [tilespmem:s6], [sflag:$0x3], $0xE000, $0x38;
	[tilespmem:$0x1C080] =	vst v63  }
0x177: {  	v1 =	vadd.s32 v0, v1;
	_ =	swait.ge [sflag:s4], $0xE000  }
0x178: {  	v1 =	vmul.u32 $0xE000, v1;
	[sflag:s4] =	ssyncset.done $0x0  }
0x179: {  	[sflag:s4] =	ssyncadd.s32 $0xFFFF2000;
	s28 =	spop (v2sf)  }
0x17a: {  	v1 =	vshrl.u32 v1, $0x3;
	[tilespmem:s6], [sflag:$0x1] =	stream.linear.gather [hbm4b:s28+s2], $0xE000, $0x38;
	[tilespmem:$0x1C080] =	vst v63  }
0x17b: {  	v1 =	vadd.s32 s9, v1;
	_ =	swait.ge [sflag:s7], $0xE000  }
0x17c: {  	(v2sf) =	vpush v1, $0x0;
	[sflag:s7] =	ssyncset.done $0x0  }
0x17d: {  	s29 =	rddreg [dreg:$0x11];
	[sflag:s7] =	ssyncadd.s32 $0xFFFF2000  }
0x17e: {  	[hbm4b:s29+s2] =	stream.linear.scatter [tilespmem:s5], [sflag:$0x4], $0xE000, $0x38;
	[tilespmem:$0x1C080] =	vst v63  }
0x17f: {  	_ =	swait.ge [sflag:s3], $0xE000  }
0x180: {  	[sflag:s3] =	ssyncset.done $0x0  }
0x181: {  	[sflag:s3] =	ssyncadd.s32 $0xFFFF2000;
	s30 =	spop (v2sf)  }
0x182: {  	[tilespmem:s5], [sflag:$0x2] =	stream.linear.gather [hbm4b:s30+s2], $0xE000, $0x38;
	[tilespmem:$0x1C080] =	vst v63  }
0x183: {  	_ =	swait.ge [sflag:s8], $0xE000  }
0x184: {  	(v2sf) =	vpush v1, $0x1;
	_ =	sdelay $0x1  }
0x185: {  	[sflag:s8] =	ssyncset.done $0x0  }
0x186: {  	s31 =	rddreg [dreg:$0x12];
	[sflag:s8] =	ssyncadd.s32 $0xFFFF2000  }
0x187: {  	[hbm4b:s31+s2] =	stream.linear.scatter [tilespmem:s6], [sflag:$0x3], $0xE000, $0x38;
	[tilespmem:$0x1C080] =	vst v63  }
0x188: {  	_ =	swait.ge [sflag:s4], $0xE000  }
0x189: {  	[sflag:s4] =	ssyncset.done $0x0  }
0x18a: {  	[sflag:s4] =	ssyncadd.s32 $0xFFFF2000;
	s14 =	spop (v2sf)  }
0x18b: {  	[tilespmem:s6], [sflag:$0x1] =	stream.linear.gather [hbm4b:s14+s2], $0xE000, $0x38;
	[tilespmem:$0x1C080] =	vst v63  }
0x18c: {  	_ =	swait.ge [sflag:s7], $0xE000  }
0x18d: {  	(v2sf) =	vpush v1, $0x2;
	[sflag:s7] =	ssyncset.done $0x0  }
0x18e: {  	s15 =	rddreg [dreg:$0x13];
	[sflag:s7] =	ssyncadd.s32 $0xFFFF2000  }
0x18f: {  	[hbm4b:s15+s2] =	stream.linear.scatter [tilespmem:s5], [sflag:$0x4], $0xE000, $0x38;
	[tilespmem:$0x1C080] =	vst v63  }
0x190: {  	_ =	swait.ge [sflag:s3], $0xE000  }
0x191: {  	[sflag:s3] =	ssyncset.done $0x0  }
0x192: {  	[sflag:s3] =	ssyncadd.s32 $0xFFFF2000;
	s16 =	spop (v2sf)  }
0x193: {  	[tilespmem:s5], [sflag:$0x2] =	stream.linear.gather [hbm4b:s16+s2], $0xE000, $0x38;
	[tilespmem:$0x1C080] =	vst v63  }
0x194: {  	_ =	swait.ge [sflag:s8], $0xE000  }
0x195: {  	(v2sf) =	vpush v1, $0x3;
	_ =	sdelay $0x1  }
0x196: {  	[sflag:s8] =	ssyncset.done $0x0  }
0x197: {  	s17 =	rddreg [dreg:$0x14];
	[sflag:s8] =	ssyncadd.s32 $0xFFFF2000  }
0x198: {  	[hbm4b:s17+s2] =	stream.linear.scatter [tilespmem:s6], [sflag:$0x3], $0xE000, $0x38;
	[tilespmem:$0x1C080] =	vst v63  }
0x199: {  	_ =	swait.ge [sflag:s4], $0xE000  }
0x19a: {  	[sflag:s4] =	ssyncset.done $0x0  }
0x19b: {  	[sflag:s4] =	ssyncadd.s32 $0xFFFF2000;
	s18 =	spop (v2sf)  }
0x19c: {  	[tilespmem:s6], [sflag:$0x1] =	stream.linear.gather [hbm4b:s18+s2], $0xE000, $0x38;
	[tilespmem:$0x1C080] =	vst v63  }
0x19d: {  	_ =	swait.ge [sflag:s7], $0xE000  }
0x19e: {  	(v2sf) =	vpush v1, $0x4;
	[sflag:s7] =	ssyncset.done $0x0  }
0x19f: {  	s19 =	rddreg [dreg:$0x15];
	[sflag:s7] =	ssyncadd.s32 $0xFFFF2000  }
0x1a0: {  	[hbm4b:s19+s2] =	stream.linear.scatter [tilespmem:s5], [sflag:$0x4], $0xE000, $0x38;
	[tilespmem:$0x1C080] =	vst v63  }
0x1a1: {  	_ =	swait.ge [sflag:s3], $0xE000  }
0x1a2: {  	[sflag:s3] =	ssyncset.done $0x0  }
0x1a3: {  	[sflag:s3] =	ssyncadd.s32 $0xFFFF2000;
	s20 =	spop (v2sf)  }
0x1a4: {  	[tilespmem:s5], [sflag:$0x2] =	stream.linear.gather [hbm4b:s20+s2], $0xE000, $0x38;
	[tilespmem:$0x1C080] =	vst v63  }
0x1a5: {  	_ =	swait.ge [sflag:s8], $0xE000  }
0x1a6: {  	(v2sf) =	vpush v1, $0x5;
	_ =	sdelay $0x1  }
0x1a7: {  	[sflag:s8] =	ssyncset.done $0x0  }
0x1a8: {  	s21 =	rddreg [dreg:$0x16];
	[sflag:s8] =	ssyncadd.s32 $0xFFFF2000  }
0x1a9: {  	[hbm4b:s21+s2] =	stream.linear.scatter [tilespmem:s6], [sflag:$0x3], $0xE000, $0x38;
	[tilespmem:$0x1C080] =	vst v63  }
0x1aa: {  	_ =	swait.ge [sflag:s4], $0xE000  }
0x1ab: {  	[sflag:s4] =	ssyncset.done $0x0  }
0x1ac: {  	[sflag:s4] =	ssyncadd.s32 $0xFFFF2000;
	s22 =	spop (v2sf)  }
0x1ad: {  	[tilespmem:s6], [sflag:$0x1] =	stream.linear.gather [hbm4b:s22+s2], $0xE000, $0x38;
	[tilespmem:$0x1C080] =	vst v63  }
0x1ae: {  	_ =	swait.ge [sflag:s7], $0xE000  }
0x1af: {  	(v2sf) =	vpush v1, $0x6;
	[sflag:s7] =	ssyncset.done $0x0  }
0x1b0: {  	s23 =	rddreg [dreg:$0x17];
	[sflag:s7] =	ssyncadd.s32 $0xFFFF2000  }
0x1b1: {  	[hbm4b:s23+s2] =	stream.linear.scatter [tilespmem:s5], [sflag:$0x4], $0xE000, $0x38;
	[tilespmem:$0x1C080] =	vst v63  }
0x1b2: {  	_ =	swait.ge [sflag:s3], $0xE000  }
0x1b3: {  	[sflag:s3] =	ssyncset.done $0x0  }
0x1b4: {  	[sflag:s3] =	ssyncadd.s32 $0xFFFF2000;
	s24 =	spop (v2sf)  }
0x1b5: {  	[tilespmem:s5], [sflag:$0x2] =	stream.linear.gather [hbm4b:s24+s2], $0xE000, $0x38;
	[tilespmem:$0x1C080] =	vst v63  }
0x1b6: {  	_ =	swait.ge [sflag:s8], $0xE000  }
0x1b7: {  	(v2sf) =	vpush v1, $0x7;
	_ =	sdelay $0x1  }
0x1b8: {  	[sflag:s8] =	ssyncset.done $0x0  }
0x1b9: {  	s25 =	rddreg [dreg:$0x18];
	[sflag:s8] =	ssyncadd.s32 $0xFFFF2000  }
0x1ba: {  	[hbm4b:s25+s2] =	stream.linear.scatter [tilespmem:s6], [sflag:$0x3], $0xE000, $0x38;
	[tilespmem:$0x1C080] =	vst v63  }
0x1bb: {  	_ =	swait.ge [sflag:s4], $0xE000  }
0x1bc: {  	[sflag:s4] =	ssyncset.done $0x0  }
0x1bd: {  	[sflag:s4] =	ssyncadd.s32 $0xFFFF2000;
	s26 =	spop (v2sf)  }
0x1be: {  	[tilespmem:s6], [sflag:$0x1] =	stream.linear.gather [hbm4b:s26+s2], $0xE000, $0x38;
	[tilespmem:$0x1C080] =	vst v63  }
0x1bf: {  	_ =	swait.ge [sflag:s7], $0xE000  }
0x1c0: {  	[sflag:s7] =	ssyncset.done $0x0  }
0x1c1: {  	s28 =	rddreg [dreg:$0x19];
	[sflag:s7] =	ssyncadd.s32 $0xFFFF2000  }
0x1c2: {  	[hbm4b:s28+s2] =	stream.linear.scatter [tilespmem:s5], [sflag:$0x4], $0xE000, $0x38;
	[tilespmem:$0x1C080] =	vst v63  }
0x1c3: {  	_ =	swait.ge [sflag:s3], $0xE000  }
0x1c4: {  	[sflag:s3] =	ssyncset.done $0x0  }
0x1c5: {  	[sflag:s3] =	ssyncadd.s32 $0xFFFF2000;
	s29 =	spop (v2sf)  }
0x1c6: {  	[tilespmem:s5], [sflag:$0x2] =	stream.linear.gather [hbm4b:s29+s2], $0xE000, $0x38;
	[tilespmem:$0x1C080] =	vst v63  }
0x1c7: {  	_ =	swait.ge [sflag:s8], $0xE000  }
0x1c8: {  	[sflag:s8] =	ssyncset.done $0x0  }
0x1c9: {  	s30 =	rddreg [dreg:$0x1a];
	[sflag:s8] =	ssyncadd.s32 $0xFFFF2000  }
0x1ca: {  	[hbm4b:s30+s2] =	stream.linear.scatter [tilespmem:s6], [sflag:$0x3], $0xE000, $0x38;
	[tilespmem:$0x1C080] =	vst v63  }
0x1cb: {  	_ =	swait.ge [sflag:s7], $0xE000  }
0x1cc: {  	[sflag:s7] =	ssyncset.done $0x0  }
0x1cd: {  	p1 =	sne.s32 s12, $0x1;
	s31 =	rddreg [dreg:$0x1b];
	[sflag:s7] =	ssyncadd.s32 $0xFFFF2000  }
0x1ce: {  	[hbm4b:s31+s2] =	stream.linear.scatter [tilespmem:s5], [sflag:$0x4], $0xE000, $0x38;
	[tilespmem:$0x1C080] =	vst v63  }
.Ltmp2:
0x1cf: {  	_ =	swait.ge [sflag:s4], $0xE000;
	(pc) =	sbr.rel @p1 .LBB2_2-.Ltmp2, $4  }
0x1d0: {  	[sflag:s4] =	ssyncset.done $0x0  }
0x1d1: {  	[sflag:s4] =	ssyncadd.s32 $0xFFFF2000  }
0x1d2: {  	_ =	swait.ge [sflag:s3], $0xE000  }
0x1d3: {  	s12 =	sadd.s32 $0xFFFFFFFF, s12;
	s13 =	rddreg [dreg:$0x4];
	[sflag:s3] =	ssyncset.done $0x0  }
.LBB2_3:
0x1d4: {  	[sflag:s3] =	ssyncadd.s32 @p0 $0xFFFF2000  }
0x1d5: {  	[tilespmem:s2], [sflag:$0x5] =	stream.linear.gather [hbm4b:s13+s2], $0x18, $0x38;
	[tilespmem:$0x1C080] =	vst v63  }
0x1d6: {  	_ =	swait.ge [sflag:s11], $0x18  }
0x1d7: {  	[sflag:s11] =	ssyncset.done $0x0  }
0x1d8: {  	[sflag:s11] =	ssyncadd.s32 $0xFFFFFFE8  }
0x1d9: {  	v1 =	vld [tilespmem:$0x0];
	_ =	sdelay $0x4  }
0x1da: {  	v1 =	vadd.s32 v0, v1  }
0x1db: {  	v1 =	vmul.u32 $0xE000, v1;
	_ =	sdelay $0x1  }
0x1dc: {  	v1 =	vshrl.u32 v1, $0x3  }
0x1dd: {  	v1 =	vadd.s32 s9, v1  }
0x1de: {  	(v2sf) =	vpush v1, $0x0;
	_ =	sdelay $0x1  }
0x1df: {  	(v2sf) =	vpush v1, $0x1;
	_ =	sdelay $0x9  }
0x1e0: {  	(v2sf) =	vpush v1, $0x2;
	_ =	sdelay $0x2  }
0x1e1: {  	s24 =	spop (v2sf)  }
0x1e2: {  	v2 =	vld [tilespmem:$0x10];
	[tilespmem:s6], [sflag:$0x1] =	stream.linear.gather [hbm4b:s24+s2], $0xE000, $0x38  }
0x1e3: {  	s25 =	spop (v2sf)  }
0x1e4: {  	[tilespmem:s5], [sflag:$0x2] =	stream.linear.gather [hbm4b:s25+s2], $0xE000, $0x38;
	[tilespmem:$0x1C080] =	vst v63  }
0x1e5: {  	_ =	swait.ge [sflag:s8], $0xE000  }
0x1e6: {  	(v2sf) =	vpush v1, $0x3;
	_ =	sdelay $0x1  }
0x1e7: {  	[sflag:s8] =	ssyncset.done $0x0  }
0x1e8: {  	[sflag:s8] =	ssyncadd.s32 $0xFFFF2000  }
0x1e9: {  	[hbm4b:s10+s2] =	stream.linear.scatter [tilespmem:s6], [sflag:$0x3], $0xE000, $0x38;
	[tilespmem:$0x1C080] =	vst v63  }
0x1ea: {  	_ =	swait.ge [sflag:s4], $0xE000  }
0x1eb: {  	[sflag:s4] =	ssyncset.done $0x0  }
0x1ec: {  	s26 =	spop (v2sf);
	[sflag:s4] =	ssyncadd.s32 $0xFFFF2000  }
0x1ed: {  	[tilespmem:s6], [sflag:$0x1] =	stream.linear.gather [hbm4b:s26+s2], $0xE000, $0x38;
	[tilespmem:$0x1C080] =	vst v63  }
0x1ee: {  	_ =	swait.ge [sflag:s7], $0xE000  }
0x1ef: {  	(v2sf) =	vpush v1, $0x4;
	[sflag:s7] =	ssyncset.done $0x0  }
0x1f0: {  	s28 =	rddreg [dreg:$0x5];
	[sflag:s7] =	ssyncadd.s32 $0xFFFF2000  }
0x1f1: {  	[hbm4b:s28+s2] =	stream.linear.scatter [tilespmem:s5], [sflag:$0x4], $0xE000, $0x38;
	[tilespmem:$0x1C080] =	vst v63  }
0x1f2: {  	_ =	swait.ge [sflag:s3], $0xE000  }
0x1f3: {  	[sflag:s3] =	ssyncset.done $0x0  }
0x1f4: {  	[sflag:s3] =	ssyncadd.s32 $0xFFFF2000;
	s29 =	spop (v2sf)  }
0x1f5: {  	[tilespmem:s5], [sflag:$0x2] =	stream.linear.gather [hbm4b:s29+s2], $0xE000, $0x38;
	[tilespmem:$0x1C080] =	vst v63  }
0x1f6: {  	_ =	swait.ge [sflag:s8], $0xE000  }
0x1f7: {  	(v2sf) =	vpush v1, $0x5;
	_ =	sdelay $0x1  }
0x1f8: {  	[sflag:s8] =	ssyncset.done $0x0  }
0x1f9: {  	s30 =	rddreg [dreg:$0x6];
	[sflag:s8] =	ssyncadd.s32 $0xFFFF2000  }
0x1fa: {  	[hbm4b:s30+s2] =	stream.linear.scatter [tilespmem:s6], [sflag:$0x3], $0xE000, $0x38;
	[tilespmem:$0x1C080] =	vst v63  }
0x1fb: {  	_ =	swait.ge [sflag:s4], $0xE000  }
0x1fc: {  	[sflag:s4] =	ssyncset.done $0x0  }
0x1fd: {  	[sflag:s4] =	ssyncadd.s32 $0xFFFF2000;
	s31 =	spop (v2sf)  }
0x1fe: {  	[tilespmem:s6], [sflag:$0x1] =	stream.linear.gather [hbm4b:s31+s2], $0xE000, $0x38;
	[tilespmem:$0x1C080] =	vst v63  }
0x1ff: {  	_ =	swait.ge [sflag:s7], $0xE000  }
0x200: {  	(v2sf) =	vpush v1, $0x6;
	[sflag:s7] =	ssyncset.done $0x0  }
0x201: {  	s11 =	rddreg [dreg:$0x7];
	[sflag:s7] =	ssyncadd.s32 $0xFFFF2000  }
0x202: {  	[hbm4b:s11+s2] =	stream.linear.scatter [tilespmem:s5], [sflag:$0x4], $0xE000, $0x38;
	[tilespmem:$0x1C080] =	vst v63  }
0x203: {  	_ =	swait.ge [sflag:s3], $0xE000  }
0x204: {  	[sflag:s3] =	ssyncset.done $0x0  }
0x205: {  	[sflag:s3] =	ssyncadd.s32 $0xFFFF2000;
	s12 =	spop (v2sf)  }
0x206: {  	[tilespmem:s5], [sflag:$0x2] =	stream.linear.gather [hbm4b:s12+s2], $0xE000, $0x38;
	[tilespmem:$0x1C080] =	vst v63  }
0x207: {  	_ =	swait.ge [sflag:s8], $0xE000  }
0x208: {  	(v2sf) =	vpush v1, $0x7;
	_ =	sdelay $0x1  }
0x209: {  	[sflag:s8] =	ssyncset.done $0x0  }
0x20a: {  	s13 =	rddreg [dreg:$0x8];
	[sflag:s8] =	ssyncadd.s32 $0xFFFF2000  }
0x20b: {  	[hbm4b:s13+s2] =	stream.linear.scatter [tilespmem:s6], [sflag:$0x3], $0xE000, $0x38;
	[tilespmem:$0x1C080] =	vst v63  }
0x20c: {  	_ =	swait.ge [sflag:s4], $0xE000  }
0x20d: {  	[sflag:s4] =	ssyncset.done $0x0  }
0x20e: {  	[sflag:s4] =	ssyncadd.s32 $0xFFFF2000;
	s14 =	spop (v2sf)  }
0x20f: {  	[tilespmem:s6], [sflag:$0x1] =	stream.linear.gather [hbm4b:s14+s2], $0xE000, $0x38;
	[tilespmem:$0x1C080] =	vst v63  }
0x210: {  	_ =	swait.ge [sflag:s7], $0xE000  }
0x211: {  	(v2sf) =	vpush v1, $0x8;
	[sflag:s7] =	ssyncset.done $0x0  }
0x212: {  	s15 =	rddreg [dreg:$0x9];
	[sflag:s7] =	ssyncadd.s32 $0xFFFF2000  }
0x213: {  	[hbm4b:s15+s2] =	stream.linear.scatter [tilespmem:s5], [sflag:$0x4], $0xE000, $0x38;
	[tilespmem:$0x1C080] =	vst v63  }
0x214: {  	_ =	swait.ge [sflag:s3], $0xE000  }
0x215: {  	[sflag:s3] =	ssyncset.done $0x0  }
0x216: {  	[sflag:s3] =	ssyncadd.s32 $0xFFFF2000;
	s16 =	spop (v2sf)  }
0x217: {  	[tilespmem:s5], [sflag:$0x2] =	stream.linear.gather [hbm4b:s16+s2], $0xE000, $0x38;
	[tilespmem:$0x1C080] =	vst v63  }
0x218: {  	_ =	swait.ge [sflag:s8], $0xE000  }
0x219: {  	(v2sf) =	vpush v1, $0x9;
	_ =	sdelay $0x1  }
0x21a: {  	[sflag:s8] =	ssyncset.done $0x0  }
0x21b: {  	s17 =	rddreg [dreg:$0xa];
	[sflag:s8] =	ssyncadd.s32 $0xFFFF2000  }
0x21c: {  	[hbm4b:s17+s2] =	stream.linear.scatter [tilespmem:s6], [sflag:$0x3], $0xE000, $0x38;
	[tilespmem:$0x1C080] =	vst v63  }
0x21d: {  	_ =	swait.ge [sflag:s4], $0xE000  }
0x21e: {  	[sflag:s4] =	ssyncset.done $0x0  }
0x21f: {  	[sflag:s4] =	ssyncadd.s32 $0xFFFF2000;
	s18 =	spop (v2sf)  }
0x220: {  	[tilespmem:s6], [sflag:$0x1] =	stream.linear.gather [hbm4b:s18+s2], $0xE000, $0x38;
	[tilespmem:$0x1C080] =	vst v63  }
0x221: {  	_ =	swait.ge [sflag:s7], $0xE000  }
0x222: {  	(v2sf) =	vpush v1, $0xA;
	[sflag:s7] =	ssyncset.done $0x0  }
0x223: {  	s19 =	rddreg [dreg:$0xb];
	[sflag:s7] =	ssyncadd.s32 $0xFFFF2000  }
0x224: {  	[hbm4b:s19+s2] =	stream.linear.scatter [tilespmem:s5], [sflag:$0x4], $0xE000, $0x38;
	[tilespmem:$0x1C080] =	vst v63  }
0x225: {  	_ =	swait.ge [sflag:s3], $0xE000  }
0x226: {  	[sflag:s3] =	ssyncset.done $0x0  }
0x227: {  	[sflag:s3] =	ssyncadd.s32 $0xFFFF2000;
	s20 =	spop (v2sf)  }
0x228: {  	[tilespmem:s5], [sflag:$0x2] =	stream.linear.gather [hbm4b:s20+s2], $0xE000, $0x38;
	[tilespmem:$0x1C080] =	vst v63  }
0x229: {  	_ =	swait.ge [sflag:s8], $0xE000  }
0x22a: {  	(v2sf) =	vpush v1, $0xB;
	_ =	sdelay $0x1  }
0x22b: {  	[sflag:s8] =	ssyncset.done $0x0  }
0x22c: {  	s21 =	rddreg [dreg:$0xc];
	[sflag:s8] =	ssyncadd.s32 $0xFFFF2000  }
0x22d: {  	[hbm4b:s21+s2] =	stream.linear.scatter [tilespmem:s6], [sflag:$0x3], $0xE000, $0x38;
	[tilespmem:$0x1C080] =	vst v63  }
0x22e: {  	_ =	swait.ge [sflag:s4], $0xE000  }
0x22f: {  	[sflag:s4] =	ssyncset.done $0x0  }
0x230: {  	[sflag:s4] =	ssyncadd.s32 $0xFFFF2000;
	s22 =	spop (v2sf)  }
0x231: {  	[tilespmem:s6], [sflag:$0x1] =	stream.linear.gather [hbm4b:s22+s2], $0xE000, $0x38;
	[tilespmem:$0x1C080] =	vst v63  }
0x232: {  	_ =	swait.ge [sflag:s7], $0xE000  }
0x233: {  	(v2sf) =	vpush v1, $0xC;
	[sflag:s7] =	ssyncset.done $0x0  }
0x234: {  	s23 =	rddreg [dreg:$0xd];
	[sflag:s7] =	ssyncadd.s32 $0xFFFF2000  }
0x235: {  	[hbm4b:s23+s2] =	stream.linear.scatter [tilespmem:s5], [sflag:$0x4], $0xE000, $0x38;
	[tilespmem:$0x1C080] =	vst v63  }
0x236: {  	_ =	swait.ge [sflag:s3], $0xE000  }
0x237: {  	[sflag:s3] =	ssyncset.done $0x0  }
0x238: {  	[sflag:s3] =	ssyncadd.s32 $0xFFFF2000;
	s24 =	spop (v2sf)  }
0x239: {  	[tilespmem:s5], [sflag:$0x2] =	stream.linear.gather [hbm4b:s24+s2], $0xE000, $0x38;
	[tilespmem:$0x1C080] =	vst v63  }
0x23a: {  	_ =	swait.ge [sflag:s8], $0xE000  }
0x23b: {  	(v2sf) =	vpush v1, $0xD;
	_ =	sdelay $0x1  }
0x23c: {  	[sflag:s8] =	ssyncset.done $0x0  }
0x23d: {  	s25 =	rddreg [dreg:$0xe];
	[sflag:s8] =	ssyncadd.s32 $0xFFFF2000  }
0x23e: {  	[hbm4b:s25+s2] =	stream.linear.scatter [tilespmem:s6], [sflag:$0x3], $0xE000, $0x38;
	[tilespmem:$0x1C080] =	vst v63  }
0x23f: {  	_ =	swait.ge [sflag:s4], $0xE000  }
0x240: {  	[sflag:s4] =	ssyncset.done $0x0  }
0x241: {  	[sflag:s4] =	ssyncadd.s32 $0xFFFF2000;
	s26 =	spop (v2sf)  }
0x242: {  	[tilespmem:s6], [sflag:$0x1] =	stream.linear.gather [hbm4b:s26+s2], $0xE000, $0x38;
	[tilespmem:$0x1C080] =	vst v63  }
0x243: {  	_ =	swait.ge [sflag:s7], $0xE000  }
0x244: {  	(v2sf) =	vpush v1, $0xE;
	[sflag:s7] =	ssyncset.done $0x0  }
0x245: {  	s28 =	rddreg [dreg:$0xf];
	[sflag:s7] =	ssyncadd.s32 $0xFFFF2000  }
0x246: {  	[hbm4b:s28+s2] =	stream.linear.scatter [tilespmem:s5], [sflag:$0x4], $0xE000, $0x38;
	[tilespmem:$0x1C080] =	vst v63  }
0x247: {  	_ =	swait.ge [sflag:s3], $0xE000  }
0x248: {  	[sflag:s3] =	ssyncset.done $0x0  }
0x249: {  	[sflag:s3] =	ssyncadd.s32 $0xFFFF2000;
	s29 =	spop (v2sf)  }
0x24a: {  	[tilespmem:s5], [sflag:$0x2] =	stream.linear.gather [hbm4b:s29+s2], $0xE000, $0x38;
	[tilespmem:$0x1C080] =	vst v63  }
0x24b: {  	_ =	swait.ge [sflag:s8], $0xE000  }
0x24c: {  	(v2sf) =	vpush v1, $0xF;
	_ =	sdelay $0x1  }
0x24d: {  	[sflag:s8] =	ssyncset.done $0x0  }
0x24e: {  	s30 =	rddreg [dreg:$0x10];
	[sflag:s8] =	ssyncadd.s32 $0xFFFF2000  }
0x24f: {  	[hbm4b:s30+s2] =	stream.linear.scatter [tilespmem:s6], [sflag:$0x3], $0xE000, $0x38;
	[tilespmem:$0x1C080] =	vst v63  }
0x250: {  	v63 =	vadd.s32 v0, v2;
	_ =	swait.ge [sflag:s4], $0xE000  }
0x251: {  	v0 =	vmul.u32 $0xE000, v63;
	[sflag:s4] =	ssyncset.done $0x0  }
0x252: {  	[sflag:s4] =	ssyncadd.s32 $0xFFFF2000;
	s31 =	spop (v2sf)  }
0x253: {  	v0 =	vshrl.u32 v0, $0x3;
	[tilespmem:s6], [sflag:$0x1] =	stream.linear.gather [hbm4b:s31+s2], $0xE000, $0x38;
	[tilespmem:$0x1C080] =	vst v63  }
0x254: {  	v0 =	vadd.s32 s9, v0;
	_ =	swait.ge [sflag:s7], $0xE000  }
0x255: {  	(v2sf) =	vpush v0, $0x0;
	[sflag:s7] =	ssyncset.done $0x0  }
0x256: {  	s11 =	rddreg [dreg:$0x11];
	[sflag:s7] =	ssyncadd.s32 $0xFFFF2000  }
0x257: {  	[hbm4b:s11+s2] =	stream.linear.scatter [tilespmem:s5], [sflag:$0x4], $0xE000, $0x38;
	[tilespmem:$0x1C080] =	vst v63  }
0x258: {  	_ =	swait.ge [sflag:s3], $0xE000  }
0x259: {  	[sflag:s3] =	ssyncset.done $0x0  }
0x25a: {  	[sflag:s3] =	ssyncadd.s32 $0xFFFF2000;
	s12 =	spop (v2sf)  }
0x25b: {  	[tilespmem:s5], [sflag:$0x2] =	stream.linear.gather [hbm4b:s12+s2], $0xE000, $0x38;
	[tilespmem:$0x1C080] =	vst v63  }
0x25c: {  	_ =	swait.ge [sflag:s8], $0xE000  }
0x25d: {  	(v2sf) =	vpush v0, $0x1;
	_ =	sdelay $0x1  }
0x25e: {  	[sflag:s8] =	ssyncset.done $0x0  }
0x25f: {  	s13 =	rddreg [dreg:$0x12];
	[sflag:s8] =	ssyncadd.s32 $0xFFFF2000  }
0x260: {  	[hbm4b:s13+s2] =	stream.linear.scatter [tilespmem:s6], [sflag:$0x3], $0xE000, $0x38;
	[tilespmem:$0x1C080] =	vst v63  }
0x261: {  	_ =	swait.ge [sflag:s4], $0xE000  }
0x262: {  	[sflag:s4] =	ssyncset.done $0x0  }
0x263: {  	[sflag:s4] =	ssyncadd.s32 $0xFFFF2000;
	s14 =	spop (v2sf)  }
0x264: {  	[tilespmem:s6], [sflag:$0x1] =	stream.linear.gather [hbm4b:s14+s2], $0xE000, $0x38;
	[tilespmem:$0x1C080] =	vst v63  }
0x265: {  	_ =	swait.ge [sflag:s7], $0xE000  }
0x266: {  	(v2sf) =	vpush v0, $0x2;
	[sflag:s7] =	ssyncset.done $0x0  }
0x267: {  	s15 =	rddreg [dreg:$0x13];
	[sflag:s7] =	ssyncadd.s32 $0xFFFF2000  }
0x268: {  	[hbm4b:s15+s2] =	stream.linear.scatter [tilespmem:s5], [sflag:$0x4], $0xE000, $0x38;
	[tilespmem:$0x1C080] =	vst v63  }
0x269: {  	_ =	swait.ge [sflag:s3], $0xE000  }
0x26a: {  	[sflag:s3] =	ssyncset.done $0x0  }
0x26b: {  	[sflag:s3] =	ssyncadd.s32 $0xFFFF2000;
	s16 =	spop (v2sf)  }
0x26c: {  	[tilespmem:s5], [sflag:$0x2] =	stream.linear.gather [hbm4b:s16+s2], $0xE000, $0x38;
	[tilespmem:$0x1C080] =	vst v63  }
0x26d: {  	_ =	swait.ge [sflag:s8], $0xE000  }
0x26e: {  	(v2sf) =	vpush v0, $0x3;
	_ =	sdelay $0x1  }
0x26f: {  	[sflag:s8] =	ssyncset.done $0x0  }
0x270: {  	s17 =	rddreg [dreg:$0x14];
	[sflag:s8] =	ssyncadd.s32 $0xFFFF2000  }
0x271: {  	[hbm4b:s17+s2] =	stream.linear.scatter [tilespmem:s6], [sflag:$0x3], $0xE000, $0x38;
	[tilespmem:$0x1C080] =	vst v63  }
0x272: {  	_ =	swait.ge [sflag:s4], $0xE000  }
0x273: {  	[sflag:s4] =	ssyncset.done $0x0  }
0x274: {  	[sflag:s4] =	ssyncadd.s32 $0xFFFF2000;
	s18 =	spop (v2sf)  }
0x275: {  	[tilespmem:s6], [sflag:$0x1] =	stream.linear.gather [hbm4b:s18+s2], $0xE000, $0x38;
	[tilespmem:$0x1C080] =	vst v63  }
0x276: {  	_ =	swait.ge [sflag:s7], $0xE000  }
0x277: {  	(v2sf) =	vpush v0, $0x4;
	[sflag:s7] =	ssyncset.done $0x0  }
0x278: {  	s19 =	rddreg [dreg:$0x15];
	[sflag:s7] =	ssyncadd.s32 $0xFFFF2000  }
0x279: {  	[hbm4b:s19+s2] =	stream.linear.scatter [tilespmem:s5], [sflag:$0x4], $0xE000, $0x38;
	[tilespmem:$0x1C080] =	vst v63  }
0x27a: {  	_ =	swait.ge [sflag:s3], $0xE000  }
0x27b: {  	[sflag:s3] =	ssyncset.done $0x0  }
0x27c: {  	[sflag:s3] =	ssyncadd.s32 $0xFFFF2000;
	s20 =	spop (v2sf)  }
0x27d: {  	[tilespmem:s5], [sflag:$0x2] =	stream.linear.gather [hbm4b:s20+s2], $0xE000, $0x38;
	[tilespmem:$0x1C080] =	vst v63  }
0x27e: {  	_ =	swait.ge [sflag:s8], $0xE000  }
0x27f: {  	(v2sf) =	vpush v0, $0x5;
	_ =	sdelay $0x1  }
0x280: {  	[sflag:s8] =	ssyncset.done $0x0  }
0x281: {  	s21 =	rddreg [dreg:$0x16];
	[sflag:s8] =	ssyncadd.s32 $0xFFFF2000  }
0x282: {  	[hbm4b:s21+s2] =	stream.linear.scatter [tilespmem:s6], [sflag:$0x3], $0xE000, $0x38;
	[tilespmem:$0x1C080] =	vst v63  }
0x283: {  	_ =	swait.ge [sflag:s4], $0xE000  }
0x284: {  	[sflag:s4] =	ssyncset.done $0x0  }
0x285: {  	[sflag:s4] =	ssyncadd.s32 $0xFFFF2000;
	s22 =	spop (v2sf)  }
0x286: {  	[tilespmem:s6], [sflag:$0x1] =	stream.linear.gather [hbm4b:s22+s2], $0xE000, $0x38;
	[tilespmem:$0x1C080] =	vst v63  }
0x287: {  	_ =	swait.ge [sflag:s7], $0xE000  }
0x288: {  	(v2sf) =	vpush v0, $0x6;
	[sflag:s7] =	ssyncset.done $0x0  }
0x289: {  	s23 =	rddreg [dreg:$0x17];
	[sflag:s7] =	ssyncadd.s32 $0xFFFF2000  }
0x28a: {  	[hbm4b:s23+s2] =	stream.linear.scatter [tilespmem:s5], [sflag:$0x4], $0xE000, $0x38;
	[tilespmem:$0x1C080] =	vst v63  }
0x28b: {  	_ =	swait.ge [sflag:s3], $0xE000  }
0x28c: {  	[sflag:s3] =	ssyncset.done $0x0  }
0x28d: {  	[sflag:s3] =	ssyncadd.s32 $0xFFFF2000;
	s24 =	spop (v2sf)  }
0x28e: {  	[tilespmem:s5], [sflag:$0x2] =	stream.linear.gather [hbm4b:s24+s2], $0xE000, $0x38;
	[tilespmem:$0x1C080] =	vst v63  }
0x28f: {  	_ =	swait.ge [sflag:s8], $0xE000  }
0x290: {  	(v2sf) =	vpush v0, $0x7;
	_ =	sdelay $0x1  }
0x291: {  	[sflag:s8] =	ssyncset.done $0x0  }
0x292: {  	s25 =	rddreg [dreg:$0x18];
	[sflag:s8] =	ssyncadd.s32 $0xFFFF2000  }
0x293: {  	[hbm4b:s25+s2] =	stream.linear.scatter [tilespmem:s6], [sflag:$0x3], $0xE000, $0x38;
	[tilespmem:$0x1C080] =	vst v63  }
0x294: {  	_ =	swait.ge [sflag:s4], $0xE000  }
0x295: {  	[sflag:s4] =	ssyncset.done $0x0  }
0x296: {  	[sflag:s4] =	ssyncadd.s32 $0xFFFF2000;
	s26 =	spop (v2sf)  }
0x297: {  	[tilespmem:s6], [sflag:$0x1] =	stream.linear.gather [hbm4b:s26+s2], $0xE000, $0x38;
	[tilespmem:$0x1C080] =	vst v63  }
0x298: {  	_ =	swait.ge [sflag:s7], $0xE000  }
0x299: {  	[sflag:s7] =	ssyncset.done $0x0  }
0x29a: {  	s28 =	rddreg [dreg:$0x19];
	[sflag:s7] =	ssyncadd.s32 $0xFFFF2000  }
0x29b: {  	[hbm4b:s28+s2] =	stream.linear.scatter [tilespmem:s5], [sflag:$0x4], $0xE000, $0x38;
	[tilespmem:$0x1C080] =	vst v63  }
0x29c: {  	_ =	swait.ge [sflag:s3], $0xE000  }
0x29d: {  	[sflag:s3] =	ssyncset.done $0x0  }
0x29e: {  	[sflag:s3] =	ssyncadd.s32 $0xFFFF2000;
	s29 =	spop (v2sf)  }
0x29f: {  	[tilespmem:s5], [sflag:$0x2] =	stream.linear.gather [hbm4b:s29+s2], $0xE000, $0x38;
	[tilespmem:$0x1C080] =	vst v63  }
0x2a0: {  	_ =	swait.ge [sflag:s8], $0xE000  }
0x2a1: {  	[sflag:s8] =	ssyncset.done $0x0  }
0x2a2: {  	s30 =	rddreg [dreg:$0x1a];
	[sflag:s8] =	ssyncadd.s32 $0xFFFF2000  }
0x2a3: {  	[hbm4b:s30+s2] =	stream.linear.scatter [tilespmem:s6], [sflag:$0x3], $0xE000, $0x38;
	[tilespmem:$0x1C080] =	vst v63  }
0x2a4: {  	_ =	swait.ge [sflag:s7], $0xE000  }
0x2a5: {  	[sflag:s7] =	ssyncset.done $0x0  }
0x2a6: {  	s31 =	rddreg [dreg:$0x1b];
	[sflag:s7] =	ssyncadd.s32 $0xFFFF2000  }
0x2a7: {  	[hbm4b:s31+s2] =	stream.linear.scatter [tilespmem:s5], [sflag:$0x4], $0xE000, $0x38;
	[tilespmem:$0x1C080] =	vst v63  }
0x2a8: {  	_ =	swait.ge [sflag:s4], $0xE000  }
0x2a9: {  	[sflag:s4] =	ssyncset.done $0x0  }
0x2aa: {  	[sflag:s4] =	ssyncadd.s32 $0xFFFF2000  }
0x2ab: {  	_ =	swait.ge [sflag:s3], $0xE000  }
0x2ac: {  	[sflag:s3] =	ssyncset.done $0x0  }
0x2ad: {  	[sflag:s3] =	ssyncadd.s32 $0xFFFF2000  }
0x2ae: {  	_ =	sfence.sel $0x180000  }
0x2af: {  	[bflag:$0x0] =	sbarrier.arrive $0xFFFF  }
0x2b0: {  	p0 =	sne.s32 s0, $0x0;
	_ =	strace $0x90000047  }
0x2b1: {  	s0 =	sadd.s32 @!p0 $0x100000, s1;
	[bflag:$0x2] =	sbarrier.arrive $0xFFFF  }
0x2b2: {  	[sflag:s0] =	ssyncadd.tile.s32 @!p0 $0x1;
	_ =	shalt  }
.Lfunc_end2:
_tile_overlayer_lowered:
.L_overlay_start_2:
0x2b3: {  	(tag) =	ssettag $0x2  }
0x2b4: {  	s0 =	rddreg [dreg:$0x0];
	s2 =	stileid.u32  }
0x2b5: {  	s1 =	rddreg [dreg:$0x1];
	p0 =	sne.s32 s2, $0x0  }
0x2b6: {  	s3 =	rddreg [dreg:$0x2];
	[bflag:$0x3] =	sbarrier.arrive $0xFFFF;
	s2 =	simm.s32 @!p0 $0x1C05  }
0x2b7: {  	[timem:s3], [sflag:s2] =	dma.local @!p0 [hbm:s0], s1  }
0x2b8: {  	s0 =	simm.s32 @!p0 $0x5  }
0x2b9: {  	_ =	swait.ge @!p0 [sflag:s0], s1  }
0x2ba: {  	s1 =	ssub.s32 @!p0 $0x0, s1;
	[sflag:s0] =	ssyncset.done @!p0 $0x0  }
0x2bb: {  	[sflag:s0] =	ssyncadd.s32 @!p0 s1  }
0x2bc: {  	[bflag:$0x3] =	sbarrier.arrive $0xFFFF  }
0x2bd: {  	_ =	shalt  }

</sc_bundles>
